<compile_context>
chip_gen: v7x
topology: tpu7x:2x2x1
jax: 0.10.2.dev20260603
libtpu: 0.0.44.dev20260713+nightly
codegen_flags: <defaults>
</compile_context>

<pallas_src>
import jax
import jax.numpy as jnp
from jax import lax
from jax.experimental import pallas as pl
from jax.experimental.pallas import tpu as pltpu
from jax.experimental.pallas import tpu_sc as plsc

NUM_EMB = 1000000
DIM = 64

NC = 2
NS = 16
NW = NC * NS

B_TOTAL = 16384 * 50
CHUNK = 128
B_PER_W = B_TOTAL // NW
NCHUNK = B_PER_W // CHUNK
NB = 8
LAG = 4
NOUT = NCHUNK // NB


def _emb_body(table_hbm, idx_hbm, out_hbm, idx_v, rows_v, gsem, ssem):
    wid = lax.axis_index("s") * NC + lax.axis_index("c")
    pltpu.sync_copy(idx_hbm.at[wid], idx_v)

    def gather(j, b):
        pltpu.async_copy(table_hbm.at[idx_v.at[j]], rows_v.at[b], gsem)

    def wait_gather(j, b):
        pltpu.make_async_copy(table_hbm.at[idx_v.at[j]], rows_v.at[b], gsem).wait()

    def store(j, b):
        pltpu.async_copy(rows_v.at[b], out_hbm.at[wid, j], ssem)

    def wait_store(j, b):
        pltpu.make_async_copy(rows_v.at[b], out_hbm.at[wid, j], ssem).wait()

    for b in range(NB):
        gather(b, b)

    def outer(o, carry):
        for b in range(NB):
            j = o * NB + b
            wait_gather(j, b)
            store(j, b)
            g = j + NB - LAG
            bg = (b + NB - LAG) % NB

            @pl.when(jnp.logical_and(g >= NB, g < NCHUNK))
            def _():
                wait_store(g - NB, bg)
                gather(g, bg)

        return carry

    lax.fori_loop(0, NOUT, outer, 0)

    for i in range(NB):
        j = NCHUNK - NB + i
        wait_store(j, j % NB)


@jax.jit
def _emb_lookup(weight, idx):
    return pl.kernel(
        _emb_body,
        out_type=jax.ShapeDtypeStruct((NW, NCHUNK, CHUNK, DIM), jnp.float32),
        mesh=plsc.VectorSubcoreMesh(core_axis_name="c", subcore_axis_name="s"),
        compiler_params=pltpu.CompilerParams(use_tc_tiling_on_sc=False),
        scratch_types=[
            pltpu.VMEM((NCHUNK, CHUNK), jnp.int32),
            pltpu.VMEM((NB, CHUNK, DIM), jnp.float32),
            pltpu.SemaphoreType.DMA,
            pltpu.SemaphoreType.DMA,
        ],
    )(weight, idx)


def kernel(token_ids, weight):
    b, s = token_ids.shape
    idx = token_ids.reshape(NW, NCHUNK, CHUNK).astype(jnp.int32)
    out = _emb_lookup(weight, idx)
    return out.reshape(b, s, DIM)

# --- scband reference (transcript-rebuilt; emitter-appended) ---
"""Pipeline reference for scband-embedding-4389456577091 (READ-ONLY COPY).

The authoritative reference and input builder live on the scoring server;
editing this copy changes nothing except your own understanding.
"""

import jax, jax.numpy as jnp
import numpy as np

NUM_EMBEDDINGS = 1000000
EMBEDDING_DIM = 64

def setup_inputs(seed: int = 0) -> dict:
    key = jax.random.key(seed)
    k_idx, k_w = jax.random.split(key)
    token_ids = jax.random.randint(k_idx, (16384, 50), 0, NUM_EMBEDDINGS, dtype=jnp.int64 if jax.config.read('jax_enable_x64') else jnp.int32)
    # trunc_normal(mean=0, std=1, a=-3, b=3) approximated by clipped normal
    weight = jnp.clip(jax.random.normal(k_w, (NUM_EMBEDDINGS, EMBEDDING_DIM), dtype=jnp.float32), -3.0, 3.0)
    return {"token_ids": token_ids, "weight": weight}

def reference(token_ids, weight):
    # Faithful to torch: self.weight[token_ids]
    return jnp.take(weight, token_ids, axis=0)

if __name__ == "__main__":
    import jax
    _d = setup_inputs()
    print(jax.jit(kernel)(*tuple(_d.values())))

</pallas_src>

<mosaic_0001>
#map = affine_map<(d0, d1) -> (0, 0)>
#map1 = affine_map<(d0, d1) -> (0, 0, 0)>
#map2 = affine_map<(d0, d1) -> (0, 0, 0, 0)>
module attributes {stable_mosaic.version = 14 : i64} {
  func.func @_emb_body(%arg0: i32, %arg1: i32, %arg2: memref<1000000x64xf32, #tpu.memory_space<hbm>>, %arg3: memref<32x200x128xi32, #tpu.memory_space<hbm>>, %arg4: memref<32x200x128x64xf32, #tpu.memory_space<hbm>>, %arg5: memref<200x128xi32, #tpu.memory_space<vmem>>, %arg6: memref<8x128x64xf32, #tpu.memory_space<vmem>>, %arg7: memref<!tpu.dma_semaphore, #tpu.memory_space<semaphore_mem>>, %arg8: memref<!tpu.dma_semaphore, #tpu.memory_space<semaphore_mem>>) attributes {dimension_semantics = [#tpu.dimension_semantics<core_parallel>, #tpu.dimension_semantics<subcore_parallel>], iteration_bounds = array<i64: 2, 16>, scalar_prefetch = 0 : i64, scratch_operands = 4 : i64, tpu.core_type = #tpu.core_type<sc_vector_subcore>, window_params = [{transform_indices = #map}, {transform_indices = #map1}, {transform_indices = #map2}]} {
    %mul3A = arith.constant 2 : i32
    %mul3A_0 = arith.muli %arg1, %mul3A : i32
    %add3A = arith.addi %mul3A_0, %arg0 : i32
    "tpu.region"() ({
      %run_scoped3A = tpu.sem_alloc : memref<!tpu.dma_semaphore, #tpu.memory_space<semaphore_mem>>
      %dma_start3A_244 = arith.constant 0 : i32
      %dma_start3A_245 = arith.constant 0 : i32
      %dma_start3A_246 = tpu.memref_slice %arg3[%add3A, %dma_start3A_244, %dma_start3A_245] : memref<32x200x128xi32, #tpu.memory_space<hbm>> -> memref<1x200x128xi32, #tpu.memory_space<hbm>>
      %dma_start3A_247 = tpu.memref_squeeze %dma_start3A_246 : memref<1x200x128xi32, #tpu.memory_space<hbm>> -> memref<200x128xi32, #tpu.memory_space<hbm>>
      %dma_start3A_248 = arith.constant 0 : i32
      %dma_start3A_249 = arith.constant 0 : i32
      %dma_start3A_250 = tpu.memref_slice %arg3[%add3A, %dma_start3A_248, %dma_start3A_249] : memref<32x200x128xi32, #tpu.memory_space<hbm>> -> memref<1x200x128xi32, #tpu.memory_space<hbm>>
      %dma_start3A_251 = tpu.memref_squeeze %dma_start3A_250 : memref<1x200x128xi32, #tpu.memory_space<hbm>> -> memref<200x128xi32, #tpu.memory_space<hbm>>
      tpu.enqueue_dma source(%dma_start3A_251 : memref<200x128xi32, #tpu.memory_space<hbm>>) target(%arg5 : memref<200x128xi32, #tpu.memory_space<vmem>>) target_semaphore(%run_scoped3A : memref<!tpu.dma_semaphore, #tpu.memory_space<semaphore_mem>>)
      %dma_wait3A_252 = arith.constant 0 : i32
      %dma_wait3A_253 = arith.constant 0 : i32
      %dma_wait3A_254 = tpu.memref_slice %arg3[%add3A, %dma_wait3A_252, %dma_wait3A_253] : memref<32x200x128xi32, #tpu.memory_space<hbm>> -> memref<1x200x128xi32, #tpu.memory_space<hbm>>
      %dma_wait3A_255 = tpu.memref_squeeze %dma_wait3A_254 : memref<1x200x128xi32, #tpu.memory_space<hbm>> -> memref<200x128xi32, #tpu.memory_space<hbm>>
      %dma_wait3A_256 = arith.constant 0 : i32
      %dma_wait3A_257 = arith.constant 0 : i32
      %dma_wait3A_258 = tpu.memref_slice %arg3[%add3A, %dma_wait3A_256, %dma_wait3A_257] : memref<32x200x128xi32, #tpu.memory_space<hbm>> -> memref<1x200x128xi32, #tpu.memory_space<hbm>>
      %dma_wait3A_259 = tpu.memref_squeeze %dma_wait3A_258 : memref<1x200x128xi32, #tpu.memory_space<hbm>> -> memref<200x128xi32, #tpu.memory_space<hbm>>
      tpu.wait_dma2 semaphore(%run_scoped3A : memref<!tpu.dma_semaphore, #tpu.memory_space<semaphore_mem>>) src(%dma_wait3A_259 : memref<200x128xi32, #tpu.memory_space<hbm>>) dst(%arg5 : memref<200x128xi32, #tpu.memory_space<vmem>>)
      tpu.yield
    }) : () -> ()
    %dma_start3A = arith.constant 0 : i32
    %dma_start3A_1 = arith.constant 0 : i32
    %dma_start3A_2 = arith.constant 0 : i32
    %dma_start3A_3 = arith.constant 0 : i32
    %dma_start3A_4 = tpu.memref_slice %arg6[%dma_start3A_1, %dma_start3A_2, %dma_start3A_3] : memref<8x128x64xf32, #tpu.memory_space<vmem>> -> memref<1x128x64xf32, #tpu.memory_space<vmem>>
    %dma_start3A_5 = tpu.memref_squeeze %dma_start3A_4 : memref<1x128x64xf32, #tpu.memory_space<vmem>> -> memref<128x64xf32, #tpu.memory_space<vmem>>
    %dma_start3A_6 = arith.constant 0 : i32
    %dma_start3A_7 = tpu.memref_slice %arg5[%dma_start3A, %dma_start3A_6] : memref<200x128xi32, #tpu.memory_space<vmem>> -> memref<1x128xi32, #tpu.memory_space<vmem>>
    %dma_start3A_8 = tpu.memref_squeeze %dma_start3A_7 : memref<1x128xi32, #tpu.memory_space<vmem>> -> memref<128xi32, #tpu.memory_space<vmem>>
    %dma_start3A_9 = arith.constant 0 : i32
    %dma_start3A_10 = arith.constant 0 : i32
    %dma_start3A_11 = tpu.memref_slice %arg2[%dma_start3A_9, %dma_start3A_10] : memref<1000000x64xf32, #tpu.memory_space<hbm>> -> memref<1000000x64xf32, #tpu.memory_space<hbm>>
    tpu.enqueue_indirect_dma source(%dma_start3A_11 : memref<1000000x64xf32, #tpu.memory_space<hbm>>) target(%dma_start3A_5 : memref<128x64xf32, #tpu.memory_space<vmem>>) offsets(%dma_start3A_8 : memref<128xi32, #tpu.memory_space<vmem>>) semaphore(%arg7 : memref<!tpu.dma_semaphore, #tpu.memory_space<semaphore_mem>>)
    %dma_start3A_12 = arith.constant 1 : i32
    %dma_start3A_13 = arith.constant 1 : i32
    %dma_start3A_14 = arith.constant 0 : i32
    %dma_start3A_15 = arith.constant 0 : i32
    %dma_start3A_16 = tpu.memref_slice %arg6[%dma_start3A_13, %dma_start3A_14, %dma_start3A_15] : memref<8x128x64xf32, #tpu.memory_space<vmem>> -> memref<1x128x64xf32, #tpu.memory_space<vmem>>
    %dma_start3A_17 = tpu.memref_squeeze %dma_start3A_16 : memref<1x128x64xf32, #tpu.memory_space<vmem>> -> memref<128x64xf32, #tpu.memory_space<vmem>>
    %dma_start3A_18 = arith.constant 0 : i32
    %dma_start3A_19 = tpu.memref_slice %arg5[%dma_start3A_12, %dma_start3A_18] : memref<200x128xi32, #tpu.memory_space<vmem>> -> memref<1x128xi32, #tpu.memory_space<vmem>>
    %dma_start3A_20 = tpu.memref_squeeze %dma_start3A_19 : memref<1x128xi32, #tpu.memory_space<vmem>> -> memref<128xi32, #tpu.memory_space<vmem>>
    %dma_start3A_21 = arith.constant 0 : i32
    %dma_start3A_22 = arith.constant 0 : i32
    %dma_start3A_23 = tpu.memref_slice %arg2[%dma_start3A_21, %dma_start3A_22] : memref<1000000x64xf32, #tpu.memory_space<hbm>> -> memref<1000000x64xf32, #tpu.memory_space<hbm>>
    tpu.enqueue_indirect_dma source(%dma_start3A_23 : memref<1000000x64xf32, #tpu.memory_space<hbm>>) target(%dma_start3A_17 : memref<128x64xf32, #tpu.memory_space<vmem>>) offsets(%dma_start3A_20 : memref<128xi32, #tpu.memory_space<vmem>>) semaphore(%arg7 : memref<!tpu.dma_semaphore, #tpu.memory_space<semaphore_mem>>)
    %dma_start3A_24 = arith.constant 2 : i32
    %dma_start3A_25 = arith.constant 2 : i32
    %dma_start3A_26 = arith.constant 0 : i32
    %dma_start3A_27 = arith.constant 0 : i32
    %dma_start3A_28 = tpu.memref_slice %arg6[%dma_start3A_25, %dma_start3A_26, %dma_start3A_27] : memref<8x128x64xf32, #tpu.memory_space<vmem>> -> memref<1x128x64xf32, #tpu.memory_space<vmem>>
    %dma_start3A_29 = tpu.memref_squeeze %dma_start3A_28 : memref<1x128x64xf32, #tpu.memory_space<vmem>> -> memref<128x64xf32, #tpu.memory_space<vmem>>
    %dma_start3A_30 = arith.constant 0 : i32
    %dma_start3A_31 = tpu.memref_slice %arg5[%dma_start3A_24, %dma_start3A_30] : memref<200x128xi32, #tpu.memory_space<vmem>> -> memref<1x128xi32, #tpu.memory_space<vmem>>
    %dma_start3A_32 = tpu.memref_squeeze %dma_start3A_31 : memref<1x128xi32, #tpu.memory_space<vmem>> -> memref<128xi32, #tpu.memory_space<vmem>>
    %dma_start3A_33 = arith.constant 0 : i32
    %dma_start3A_34 = arith.constant 0 : i32
    %dma_start3A_35 = tpu.memref_slice %arg2[%dma_start3A_33, %dma_start3A_34] : memref<1000000x64xf32, #tpu.memory_space<hbm>> -> memref<1000000x64xf32, #tpu.memory_space<hbm>>
    tpu.enqueue_indirect_dma source(%dma_start3A_35 : memref<1000000x64xf32, #tpu.memory_space<hbm>>) target(%dma_start3A_29 : memref<128x64xf32, #tpu.memory_space<vmem>>) offsets(%dma_start3A_32 : memref<128xi32, #tpu.memory_space<vmem>>) semaphore(%arg7 : memref<!tpu.dma_semaphore, #tpu.memory_space<semaphore_mem>>)
    %dma_start3A_36 = arith.constant 3 : i32
    %dma_start3A_37 = arith.constant 3 : i32
    %dma_start3A_38 = arith.constant 0 : i32
    %dma_start3A_39 = arith.constant 0 : i32
    %dma_start3A_40 = tpu.memref_slice %arg6[%dma_start3A_37, %dma_start3A_38, %dma_start3A_39] : memref<8x128x64xf32, #tpu.memory_space<vmem>> -> memref<1x128x64xf32, #tpu.memory_space<vmem>>
    %dma_start3A_41 = tpu.memref_squeeze %dma_start3A_40 : memref<1x128x64xf32, #tpu.memory_space<vmem>> -> memref<128x64xf32, #tpu.memory_space<vmem>>
    %dma_start3A_42 = arith.constant 0 : i32
    %dma_start3A_43 = tpu.memref_slice %arg5[%dma_start3A_36, %dma_start3A_42] : memref<200x128xi32, #tpu.memory_space<vmem>> -> memref<1x128xi32, #tpu.memory_space<vmem>>
    %dma_start3A_44 = tpu.memref_squeeze %dma_start3A_43 : memref<1x128xi32, #tpu.memory_space<vmem>> -> memref<128xi32, #tpu.memory_space<vmem>>
    %dma_start3A_45 = arith.constant 0 : i32
    %dma_start3A_46 = arith.constant 0 : i32
    %dma_start3A_47 = tpu.memref_slice %arg2[%dma_start3A_45, %dma_start3A_46] : memref<1000000x64xf32, #tpu.memory_space<hbm>> -> memref<1000000x64xf32, #tpu.memory_space<hbm>>
    tpu.enqueue_indirect_dma source(%dma_start3A_47 : memref<1000000x64xf32, #tpu.memory_space<hbm>>) target(%dma_start3A_41 : memref<128x64xf32, #tpu.memory_space<vmem>>) offsets(%dma_start3A_44 : memref<128xi32, #tpu.memory_space<vmem>>) semaphore(%arg7 : memref<!tpu.dma_semaphore, #tpu.memory_space<semaphore_mem>>)
    %dma_start3A_48 = arith.constant 4 : i32
    %dma_start3A_49 = arith.constant 4 : i32
    %dma_start3A_50 = arith.constant 0 : i32
    %dma_start3A_51 = arith.constant 0 : i32
    %dma_start3A_52 = tpu.memref_slice %arg6[%dma_start3A_49, %dma_start3A_50, %dma_start3A_51] : memref<8x128x64xf32, #tpu.memory_space<vmem>> -> memref<1x128x64xf32, #tpu.memory_space<vmem>>
    %dma_start3A_53 = tpu.memref_squeeze %dma_start3A_52 : memref<1x128x64xf32, #tpu.memory_space<vmem>> -> memref<128x64xf32, #tpu.memory_space<vmem>>
    %dma_start3A_54 = arith.constant 0 : i32
    %dma_start3A_55 = tpu.memref_slice %arg5[%dma_start3A_48, %dma_start3A_54] : memref<200x128xi32, #tpu.memory_space<vmem>> -> memref<1x128xi32, #tpu.memory_space<vmem>>
    %dma_start3A_56 = tpu.memref_squeeze %dma_start3A_55 : memref<1x128xi32, #tpu.memory_space<vmem>> -> memref<128xi32, #tpu.memory_space<vmem>>
    %dma_start3A_57 = arith.constant 0 : i32
    %dma_start3A_58 = arith.constant 0 : i32
    %dma_start3A_59 = tpu.memref_slice %arg2[%dma_start3A_57, %dma_start3A_58] : memref<1000000x64xf32, #tpu.memory_space<hbm>> -> memref<1000000x64xf32, #tpu.memory_space<hbm>>
    tpu.enqueue_indirect_dma source(%dma_start3A_59 : memref<1000000x64xf32, #tpu.memory_space<hbm>>) target(%dma_start3A_53 : memref<128x64xf32, #tpu.memory_space<vmem>>) offsets(%dma_start3A_56 : memref<128xi32, #tpu.memory_space<vmem>>) semaphore(%arg7 : memref<!tpu.dma_semaphore, #tpu.memory_space<semaphore_mem>>)
    %dma_start3A_60 = arith.constant 5 : i32
    %dma_start3A_61 = arith.constant 5 : i32
    %dma_start3A_62 = arith.constant 0 : i32
    %dma_start3A_63 = arith.constant 0 : i32
    %dma_start3A_64 = tpu.memref_slice %arg6[%dma_start3A_61, %dma_start3A_62, %dma_start3A_63] : memref<8x128x64xf32, #tpu.memory_space<vmem>> -> memref<1x128x64xf32, #tpu.memory_space<vmem>>
    %dma_start3A_65 = tpu.memref_squeeze %dma_start3A_64 : memref<1x128x64xf32, #tpu.memory_space<vmem>> -> memref<128x64xf32, #tpu.memory_space<vmem>>
    %dma_start3A_66 = arith.constant 0 : i32
    %dma_start3A_67 = tpu.memref_slice %arg5[%dma_start3A_60, %dma_start3A_66] : memref<200x128xi32, #tpu.memory_space<vmem>> -> memref<1x128xi32, #tpu.memory_space<vmem>>
    %dma_start3A_68 = tpu.memref_squeeze %dma_start3A_67 : memref<1x128xi32, #tpu.memory_space<vmem>> -> memref<128xi32, #tpu.memory_space<vmem>>
    %dma_start3A_69 = arith.constant 0 : i32
    %dma_start3A_70 = arith.constant 0 : i32
    %dma_start3A_71 = tpu.memref_slice %arg2[%dma_start3A_69, %dma_start3A_70] : memref<1000000x64xf32, #tpu.memory_space<hbm>> -> memref<1000000x64xf32, #tpu.memory_space<hbm>>
    tpu.enqueue_indirect_dma source(%dma_start3A_71 : memref<1000000x64xf32, #tpu.memory_space<hbm>>) target(%dma_start3A_65 : memref<128x64xf32, #tpu.memory_space<vmem>>) offsets(%dma_start3A_68 : memref<128xi32, #tpu.memory_space<vmem>>) semaphore(%arg7 : memref<!tpu.dma_semaphore, #tpu.memory_space<semaphore_mem>>)
    %dma_start3A_72 = arith.constant 6 : i32
    %dma_start3A_73 = arith.constant 6 : i32
    %dma_start3A_74 = arith.constant 0 : i32
    %dma_start3A_75 = arith.constant 0 : i32
    %dma_start3A_76 = tpu.memref_slice %arg6[%dma_start3A_73, %dma_start3A_74, %dma_start3A_75] : memref<8x128x64xf32, #tpu.memory_space<vmem>> -> memref<1x128x64xf32, #tpu.memory_space<vmem>>
    %dma_start3A_77 = tpu.memref_squeeze %dma_start3A_76 : memref<1x128x64xf32, #tpu.memory_space<vmem>> -> memref<128x64xf32, #tpu.memory_space<vmem>>
    %dma_start3A_78 = arith.constant 0 : i32
    %dma_start3A_79 = tpu.memref_slice %arg5[%dma_start3A_72, %dma_start3A_78] : memref<200x128xi32, #tpu.memory_space<vmem>> -> memref<1x128xi32, #tpu.memory_space<vmem>>
    %dma_start3A_80 = tpu.memref_squeeze %dma_start3A_79 : memref<1x128xi32, #tpu.memory_space<vmem>> -> memref<128xi32, #tpu.memory_space<vmem>>
    %dma_start3A_81 = arith.constant 0 : i32
    %dma_start3A_82 = arith.constant 0 : i32
    %dma_start3A_83 = tpu.memref_slice %arg2[%dma_start3A_81, %dma_start3A_82] : memref<1000000x64xf32, #tpu.memory_space<hbm>> -> memref<1000000x64xf32, #tpu.memory_space<hbm>>
    tpu.enqueue_indirect_dma source(%dma_start3A_83 : memref<1000000x64xf32, #tpu.memory_space<hbm>>) target(%dma_start3A_77 : memref<128x64xf32, #tpu.memory_space<vmem>>) offsets(%dma_start3A_80 : memref<128xi32, #tpu.memory_space<vmem>>) semaphore(%arg7 : memref<!tpu.dma_semaphore, #tpu.memory_space<semaphore_mem>>)
    %dma_start3A_84 = arith.constant 7 : i32
    %dma_start3A_85 = arith.constant 7 : i32
    %dma_start3A_86 = arith.constant 0 : i32
    %dma_start3A_87 = arith.constant 0 : i32
    %dma_start3A_88 = tpu.memref_slice %arg6[%dma_start3A_85, %dma_start3A_86, %dma_start3A_87] : memref<8x128x64xf32, #tpu.memory_space<vmem>> -> memref<1x128x64xf32, #tpu.memory_space<vmem>>
    %dma_start3A_89 = tpu.memref_squeeze %dma_start3A_88 : memref<1x128x64xf32, #tpu.memory_space<vmem>> -> memref<128x64xf32, #tpu.memory_space<vmem>>
    %dma_start3A_90 = arith.constant 0 : i32
    %dma_start3A_91 = tpu.memref_slice %arg5[%dma_start3A_84, %dma_start3A_90] : memref<200x128xi32, #tpu.memory_space<vmem>> -> memref<1x128xi32, #tpu.memory_space<vmem>>
    %dma_start3A_92 = tpu.memref_squeeze %dma_start3A_91 : memref<1x128xi32, #tpu.memory_space<vmem>> -> memref<128xi32, #tpu.memory_space<vmem>>
    %dma_start3A_93 = arith.constant 0 : i32
    %dma_start3A_94 = arith.constant 0 : i32
    %dma_start3A_95 = tpu.memref_slice %arg2[%dma_start3A_93, %dma_start3A_94] : memref<1000000x64xf32, #tpu.memory_space<hbm>> -> memref<1000000x64xf32, #tpu.memory_space<hbm>>
    tpu.enqueue_indirect_dma source(%dma_start3A_95 : memref<1000000x64xf32, #tpu.memory_space<hbm>>) target(%dma_start3A_89 : memref<128x64xf32, #tpu.memory_space<vmem>>) offsets(%dma_start3A_92 : memref<128xi32, #tpu.memory_space<vmem>>) semaphore(%arg7 : memref<!tpu.dma_semaphore, #tpu.memory_space<semaphore_mem>>)
    %scan3A = arith.constant 0 : i32
    %scan3A_96 = arith.constant 0 : i32
    %scan3A_97 = arith.constant 25 : i32
    %scan3A_98 = arith.addi %scan3A_96, %scan3A_97 : i32
    %scan3A_99 = arith.constant 1 : i32
    scf.for %scan3A_244 = %scan3A_96 to %scan3A_98 step %scan3A_99  : i32 {
      %mul3A_245 = arith.constant 8 : i32
      %mul3A_246 = arith.muli %scan3A_244, %mul3A_245 : i32
      %add3A_247 = arith.constant 0 : i32
      %add3A_248 = arith.addi %mul3A_246, %add3A_247 : i32
      %dma_wait3A_249 = arith.constant 0 : i32
      %dma_wait3A_250 = arith.constant 0 : i32
      %dma_wait3A_251 = arith.constant 0 : i32
      %dma_wait3A_252 = tpu.memref_slice %arg6[%dma_wait3A_249, %dma_wait3A_250, %dma_wait3A_251] : memref<8x128x64xf32, #tpu.memory_space<vmem>> -> memref<1x128x64xf32, #tpu.memory_space<vmem>>
      %dma_wait3A_253 = tpu.memref_squeeze %dma_wait3A_252 : memref<1x128x64xf32, #tpu.memory_space<vmem>> -> memref<128x64xf32, #tpu.memory_space<vmem>>
      %dma_wait3A_254 = arith.constant 0 : i32
      %dma_wait3A_255 = tpu.memref_slice %arg5[%add3A_248, %dma_wait3A_254] : memref<200x128xi32, #tpu.memory_space<vmem>> -> memref<1x128xi32, #tpu.memory_space<vmem>>
      %dma_wait3A_256 = tpu.memref_squeeze %dma_wait3A_255 : memref<1x128xi32, #tpu.memory_space<vmem>> -> memref<128xi32, #tpu.memory_space<vmem>>
      %dma_wait3A_257 = arith.constant 0 : i32
      %dma_wait3A_258 = arith.constant 0 : i32
      %dma_wait3A_259 = tpu.memref_slice %arg2[%dma_wait3A_257, %dma_wait3A_258] : memref<1000000x64xf32, #tpu.memory_space<hbm>> -> memref<1000000x64xf32, #tpu.memory_space<hbm>>
      tpu.wait_indirect_dma semaphore(%arg7 : memref<!tpu.dma_semaphore, #tpu.memory_space<semaphore_mem>>) src(%dma_wait3A_259 : memref<1000000x64xf32, #tpu.memory_space<hbm>>) dst(%dma_wait3A_253 : memref<128x64xf32, #tpu.memory_space<vmem>>)
      %dma_start3A_260 = arith.constant 0 : i32
      %dma_start3A_261 = arith.constant 0 : i32
      %dma_start3A_262 = arith.constant 0 : i32
      %dma_start3A_263 = tpu.memref_slice %arg6[%dma_start3A_260, %dma_start3A_261, %dma_start3A_262] : memref<8x128x64xf32, #tpu.memory_space<vmem>> -> memref<1x128x64xf32, #tpu.memory_space<vmem>>
      %dma_start3A_264 = tpu.memref_squeeze %dma_start3A_263 : memref<1x128x64xf32, #tpu.memory_space<vmem>> -> memref<128x64xf32, #tpu.memory_space<vmem>>
      %dma_start3A_265 = arith.constant 0 : i32
      %dma_start3A_266 = arith.constant 0 : i32
      %dma_start3A_267 = tpu.memref_slice %arg4[%add3A, %add3A_248, %dma_start3A_265, %dma_start3A_266] : memref<32x200x128x64xf32, #tpu.memory_space<hbm>> -> memref<1x1x128x64xf32, #tpu.memory_space<hbm>>
      %dma_start3A_268 = tpu.memref_squeeze %dma_start3A_267 : memref<1x1x128x64xf32, #tpu.memory_space<hbm>> -> memref<128x64xf32, #tpu.memory_space<hbm>>
      %dma_start3A_269 = arith.constant 0 : i32
      %dma_start3A_270 = arith.constant 0 : i32
      %dma_start3A_271 = tpu.memref_slice %arg4[%add3A, %add3A_248, %dma_start3A_269, %dma_start3A_270] : memref<32x200x128x64xf32, #tpu.memory_space<hbm>> -> memref<1x1x128x64xf32, #tpu.memory_space<hbm>>
      %dma_start3A_272 = tpu.memref_squeeze %dma_start3A_271 : memref<1x1x128x64xf32, #tpu.memory_space<hbm>> -> memref<128x64xf32, #tpu.memory_space<hbm>>
      %dma_start3A_273 = arith.constant 0 : i32
      %dma_start3A_274 = arith.constant 0 : i32
      %dma_start3A_275 = tpu.memref_slice %arg6[%dma_start3A_260, %dma_start3A_273, %dma_start3A_274] : memref<8x128x64xf32, #tpu.memory_space<vmem>> -> memref<1x128x64xf32, #tpu.memory_space<vmem>>
      %dma_start3A_276 = tpu.memref_squeeze %dma_start3A_275 : memref<1x128x64xf32, #tpu.memory_space<vmem>> -> memref<128x64xf32, #tpu.memory_space<vmem>>
      tpu.enqueue_dma source(%dma_start3A_276 : memref<128x64xf32, #tpu.memory_space<vmem>>) target(%dma_start3A_272 : memref<128x64xf32, #tpu.memory_space<hbm>>) target_semaphore(%arg8 : memref<!tpu.dma_semaphore, #tpu.memory_space<semaphore_mem>>)
      %add3A_277 = arith.constant 8 : i32
      %add3A_278 = arith.addi %add3A_248, %add3A_277 : i32
      %sub3A = arith.constant 4 : i32
      %sub3A_279 = arith.subi %add3A_278, %sub3A : i32
      %ge3A = arith.constant 8 : i32
      %ge3A_280 = arith.cmpi sge, %sub3A_279, %ge3A : i32
      %lt3A = arith.constant 200 : i32
      %lt3A_281 = arith.cmpi slt, %sub3A_279, %lt3A : i32
      %and3A = arith.andi %ge3A_280, %lt3A_281 : i1
      %convert_element_type3A = arith.extui %and3A : i1 to i32
      %cond3A = arith.constant 0 : i32
      %cond3A_282 = arith.cmpi ne, %convert_element_type3A, %cond3A : i32
      scf.if %cond3A_282 {
        %sub3A_591 = arith.constant 8 : i32
        %sub3A_592 = arith.subi %sub3A_279, %sub3A_591 : i32
        %dma_wait3A_593 = arith.constant 4 : i32
        %dma_wait3A_594 = arith.constant 0 : i32
        %dma_wait3A_595 = arith.constant 0 : i32
        %dma_wait3A_596 = tpu.memref_slice %arg6[%dma_wait3A_593, %dma_wait3A_594, %dma_wait3A_595] : memref<8x128x64xf32, #tpu.memory_space<vmem>> -> memref<1x128x64xf32, #tpu.memory_space<vmem>>
        %dma_wait3A_597 = tpu.memref_squeeze %dma_wait3A_596 : memref<1x128x64xf32, #tpu.memory_space<vmem>> -> memref<128x64xf32, #tpu.memory_space<vmem>>
        %dma_wait3A_598 = arith.constant 0 : i32
        %dma_wait3A_599 = arith.constant 0 : i32
        %dma_wait3A_600 = tpu.memref_slice %arg4[%add3A, %sub3A_592, %dma_wait3A_598, %dma_wait3A_599] : memref<32x200x128x64xf32, #tpu.memory_space<hbm>> -> memref<1x1x128x64xf32, #tpu.memory_space<hbm>>
        %dma_wait3A_601 = tpu.memref_squeeze %dma_wait3A_600 : memref<1x1x128x64xf32, #tpu.memory_space<hbm>> -> memref<128x64xf32, #tpu.memory_space<hbm>>
        %dma_wait3A_602 = arith.constant 0 : i32
        %dma_wait3A_603 = arith.constant 0 : i32
        %dma_wait3A_604 = tpu.memref_slice %arg4[%add3A, %sub3A_592, %dma_wait3A_602, %dma_wait3A_603] : memref<32x200x128x64xf32, #tpu.memory_space<hbm>> -> memref<1x1x128x64xf32, #tpu.memory_space<hbm>>
        %dma_wait3A_605 = tpu.memref_squeeze %dma_wait3A_604 : memref<1x1x128x64xf32, #tpu.memory_space<hbm>> -> memref<128x64xf32, #tpu.memory_space<hbm>>
        %dma_wait3A_606 = arith.constant 0 : i32
        %dma_wait3A_607 = arith.constant 0 : i32
        %dma_wait3A_608 = tpu.memref_slice %arg6[%dma_wait3A_593, %dma_wait3A_606, %dma_wait3A_607] : memref<8x128x64xf32, #tpu.memory_space<vmem>> -> memref<1x128x64xf32, #tpu.memory_space<vmem>>
        %dma_wait3A_609 = tpu.memref_squeeze %dma_wait3A_608 : memref<1x128x64xf32, #tpu.memory_space<vmem>> -> memref<128x64xf32, #tpu.memory_space<vmem>>
        tpu.wait_dma2 semaphore(%arg8 : memref<!tpu.dma_semaphore, #tpu.memory_space<semaphore_mem>>) src(%dma_wait3A_609 : memref<128x64xf32, #tpu.memory_space<vmem>>) dst(%dma_wait3A_605 : memref<128x64xf32, #tpu.memory_space<hbm>>)
        %dma_start3A_610 = arith.constant 4 : i32
        %dma_start3A_611 = arith.constant 0 : i32
        %dma_start3A_612 = arith.constant 0 : i32
        %dma_start3A_613 = tpu.memref_slice %arg6[%dma_start3A_610, %dma_start3A_611, %dma_start3A_612] : memref<8x128x64xf32, #tpu.memory_space<vmem>> -> memref<1x128x64xf32, #tpu.memory_space<vmem>>
        %dma_start3A_614 = tpu.memref_squeeze %dma_start3A_613 : memref<1x128x64xf32, #tpu.memory_space<vmem>> -> memref<128x64xf32, #tpu.memory_space<vmem>>
        %dma_start3A_615 = arith.constant 0 : i32
        %dma_start3A_616 = tpu.memref_slice %arg5[%sub3A_279, %dma_start3A_615] : memref<200x128xi32, #tpu.memory_space<vmem>> -> memref<1x128xi32, #tpu.memory_space<vmem>>
        %dma_start3A_617 = tpu.memref_squeeze %dma_start3A_616 : memref<1x128xi32, #tpu.memory_space<vmem>> -> memref<128xi32, #tpu.memory_space<vmem>>
        %dma_start3A_618 = arith.constant 0 : i32
        %dma_start3A_619 = arith.constant 0 : i32
        %dma_start3A_620 = tpu.memref_slice %arg2[%dma_start3A_618, %dma_start3A_619] : memref<1000000x64xf32, #tpu.memory_space<hbm>> -> memref<1000000x64xf32, #tpu.memory_space<hbm>>
        tpu.enqueue_indirect_dma source(%dma_start3A_620 : memref<1000000x64xf32, #tpu.memory_space<hbm>>) target(%dma_start3A_614 : memref<128x64xf32, #tpu.memory_space<vmem>>) offsets(%dma_start3A_617 : memref<128xi32, #tpu.memory_space<vmem>>) semaphore(%arg7 : memref<!tpu.dma_semaphore, #tpu.memory_space<semaphore_mem>>)
      } else {
      }
      %mul3A_283 = arith.constant 8 : i32
      %mul3A_284 = arith.muli %scan3A_244, %mul3A_283 : i32
      %add3A_285 = arith.constant 1 : i32
      %add3A_286 = arith.addi %mul3A_284, %add3A_285 : i32
      %dma_wait3A_287 = arith.constant 1 : i32
      %dma_wait3A_288 = arith.constant 0 : i32
      %dma_wait3A_289 = arith.constant 0 : i32
      %dma_wait3A_290 = tpu.memref_slice %arg6[%dma_wait3A_287, %dma_wait3A_288, %dma_wait3A_289] : memref<8x128x64xf32, #tpu.memory_space<vmem>> -> memref<1x128x64xf32, #tpu.memory_space<vmem>>
      %dma_wait3A_291 = tpu.memref_squeeze %dma_wait3A_290 : memref<1x128x64xf32, #tpu.memory_space<vmem>> -> memref<128x64xf32, #tpu.memory_space<vmem>>
      %dma_wait3A_292 = arith.constant 0 : i32
      %dma_wait3A_293 = tpu.memref_slice %arg5[%add3A_286, %dma_wait3A_292] : memref<200x128xi32, #tpu.memory_space<vmem>> -> memref<1x128xi32, #tpu.memory_space<vmem>>
      %dma_wait3A_294 = tpu.memref_squeeze %dma_wait3A_293 : memref<1x128xi32, #tpu.memory_space<vmem>> -> memref<128xi32, #tpu.memory_space<vmem>>
      %dma_wait3A_295 = arith.constant 0 : i32
      %dma_wait3A_296 = arith.constant 0 : i32
      %dma_wait3A_297 = tpu.memref_slice %arg2[%dma_wait3A_295, %dma_wait3A_296] : memref<1000000x64xf32, #tpu.memory_space<hbm>> -> memref<1000000x64xf32, #tpu.memory_space<hbm>>
      tpu.wait_indirect_dma semaphore(%arg7 : memref<!tpu.dma_semaphore, #tpu.memory_space<semaphore_mem>>) src(%dma_wait3A_297 : memref<1000000x64xf32, #tpu.memory_space<hbm>>) dst(%dma_wait3A_291 : memref<128x64xf32, #tpu.memory_space<vmem>>)
      %dma_start3A_298 = arith.constant 1 : i32
      %dma_start3A_299 = arith.constant 0 : i32
      %dma_start3A_300 = arith.constant 0 : i32
      %dma_start3A_301 = tpu.memref_slice %arg6[%dma_start3A_298, %dma_start3A_299, %dma_start3A_300] : memref<8x128x64xf32, #tpu.memory_space<vmem>> -> memref<1x128x64xf32, #tpu.memory_space<vmem>>
      %dma_start3A_302 = tpu.memref_squeeze %dma_start3A_301 : memref<1x128x64xf32, #tpu.memory_space<vmem>> -> memref<128x64xf32, #tpu.memory_space<vmem>>
      %dma_start3A_303 = arith.constant 0 : i32
      %dma_start3A_304 = arith.constant 0 : i32
      %dma_start3A_305 = tpu.memref_slice %arg4[%add3A, %add3A_286, %dma_start3A_303, %dma_start3A_304] : memref<32x200x128x64xf32, #tpu.memory_space<hbm>> -> memref<1x1x128x64xf32, #tpu.memory_space<hbm>>
      %dma_start3A_306 = tpu.memref_squeeze %dma_start3A_305 : memref<1x1x128x64xf32, #tpu.memory_space<hbm>> -> memref<128x64xf32, #tpu.memory_space<hbm>>
      %dma_start3A_307 = arith.constant 0 : i32
      %dma_start3A_308 = arith.constant 0 : i32
      %dma_start3A_309 = tpu.memref_slice %arg4[%add3A, %add3A_286, %dma_start3A_307, %dma_start3A_308] : memref<32x200x128x64xf32, #tpu.memory_space<hbm>> -> memref<1x1x128x64xf32, #tpu.memory_space<hbm>>
      %dma_start3A_310 = tpu.memref_squeeze %dma_start3A_309 : memref<1x1x128x64xf32, #tpu.memory_space<hbm>> -> memref<128x64xf32, #tpu.memory_space<hbm>>
      %dma_start3A_311 = arith.constant 0 : i32
      %dma_start3A_312 = arith.constant 0 : i32
      %dma_start3A_313 = tpu.memref_slice %arg6[%dma_start3A_298, %dma_start3A_311, %dma_start3A_312] : memref<8x128x64xf32, #tpu.memory_space<vmem>> -> memref<1x128x64xf32, #tpu.memory_space<vmem>>
      %dma_start3A_314 = tpu.memref_squeeze %dma_start3A_313 : memref<1x128x64xf32, #tpu.memory_space<vmem>> -> memref<128x64xf32, #tpu.memory_space<vmem>>
      tpu.enqueue_dma source(%dma_start3A_314 : memref<128x64xf32, #tpu.memory_space<vmem>>) target(%dma_start3A_310 : memref<128x64xf32, #tpu.memory_space<hbm>>) target_semaphore(%arg8 : memref<!tpu.dma_semaphore, #tpu.memory_space<semaphore_mem>>)
      %add3A_315 = arith.constant 8 : i32
      %add3A_316 = arith.addi %add3A_286, %add3A_315 : i32
      %sub3A_317 = arith.constant 4 : i32
      %sub3A_318 = arith.subi %add3A_316, %sub3A_317 : i32
      %ge3A_319 = arith.constant 8 : i32
      %ge3A_320 = arith.cmpi sge, %sub3A_318, %ge3A_319 : i32
      %lt3A_321 = arith.constant 200 : i32
      %lt3A_322 = arith.cmpi slt, %sub3A_318, %lt3A_321 : i32
      %and3A_323 = arith.andi %ge3A_320, %lt3A_322 : i1
      %convert_element_type3A_324 = arith.extui %and3A_323 : i1 to i32
      %cond3A_325 = arith.constant 0 : i32
      %cond3A_326 = arith.cmpi ne, %convert_element_type3A_324, %cond3A_325 : i32
      scf.if %cond3A_326 {
        %sub3A_591 = arith.constant 8 : i32
        %sub3A_592 = arith.subi %sub3A_318, %sub3A_591 : i32
        %dma_wait3A_593 = arith.constant 5 : i32
        %dma_wait3A_594 = arith.constant 0 : i32
        %dma_wait3A_595 = arith.constant 0 : i32
        %dma_wait3A_596 = tpu.memref_slice %arg6[%dma_wait3A_593, %dma_wait3A_594, %dma_wait3A_595] : memref<8x128x64xf32, #tpu.memory_space<vmem>> -> memref<1x128x64xf32, #tpu.memory_space<vmem>>
        %dma_wait3A_597 = tpu.memref_squeeze %dma_wait3A_596 : memref<1x128x64xf32, #tpu.memory_space<vmem>> -> memref<128x64xf32, #tpu.memory_space<vmem>>
        %dma_wait3A_598 = arith.constant 0 : i32
        %dma_wait3A_599 = arith.constant 0 : i32
        %dma_wait3A_600 = tpu.memref_slice %arg4[%add3A, %sub3A_592, %dma_wait3A_598, %dma_wait3A_599] : memref<32x200x128x64xf32, #tpu.memory_space<hbm>> -> memref<1x1x128x64xf32, #tpu.memory_space<hbm>>
        %dma_wait3A_601 = tpu.memref_squeeze %dma_wait3A_600 : memref<1x1x128x64xf32, #tpu.memory_space<hbm>> -> memref<128x64xf32, #tpu.memory_space<hbm>>
        %dma_wait3A_602 = arith.constant 0 : i32
        %dma_wait3A_603 = arith.constant 0 : i32
        %dma_wait3A_604 = tpu.memref_slice %arg4[%add3A, %sub3A_592, %dma_wait3A_602, %dma_wait3A_603] : memref<32x200x128x64xf32, #tpu.memory_space<hbm>> -> memref<1x1x128x64xf32, #tpu.memory_space<hbm>>
        %dma_wait3A_605 = tpu.memref_squeeze %dma_wait3A_604 : memref<1x1x128x64xf32, #tpu.memory_space<hbm>> -> memref<128x64xf32, #tpu.memory_space<hbm>>
        %dma_wait3A_606 = arith.constant 0 : i32
        %dma_wait3A_607 = arith.constant 0 : i32
        %dma_wait3A_608 = tpu.memref_slice %arg6[%dma_wait3A_593, %dma_wait3A_606, %dma_wait3A_607] : memref<8x128x64xf32, #tpu.memory_space<vmem>> -> memref<1x128x64xf32, #tpu.memory_space<vmem>>
        %dma_wait3A_609 = tpu.memref_squeeze %dma_wait3A_608 : memref<1x128x64xf32, #tpu.memory_space<vmem>> -> memref<128x64xf32, #tpu.memory_space<vmem>>
        tpu.wait_dma2 semaphore(%arg8 : memref<!tpu.dma_semaphore, #tpu.memory_space<semaphore_mem>>) src(%dma_wait3A_609 : memref<128x64xf32, #tpu.memory_space<vmem>>) dst(%dma_wait3A_605 : memref<128x64xf32, #tpu.memory_space<hbm>>)
        %dma_start3A_610 = arith.constant 5 : i32
        %dma_start3A_611 = arith.constant 0 : i32
        %dma_start3A_612 = arith.constant 0 : i32
        %dma_start3A_613 = tpu.memref_slice %arg6[%dma_start3A_610, %dma_start3A_611, %dma_start3A_612] : memref<8x128x64xf32, #tpu.memory_space<vmem>> -> memref<1x128x64xf32, #tpu.memory_space<vmem>>
        %dma_start3A_614 = tpu.memref_squeeze %dma_start3A_613 : memref<1x128x64xf32, #tpu.memory_space<vmem>> -> memref<128x64xf32, #tpu.memory_space<vmem>>
        %dma_start3A_615 = arith.constant 0 : i32
        %dma_start3A_616 = tpu.memref_slice %arg5[%sub3A_318, %dma_start3A_615] : memref<200x128xi32, #tpu.memory_space<vmem>> -> memref<1x128xi32, #tpu.memory_space<vmem>>
        %dma_start3A_617 = tpu.memref_squeeze %dma_start3A_616 : memref<1x128xi32, #tpu.memory_space<vmem>> -> memref<128xi32, #tpu.memory_space<vmem>>
        %dma_start3A_618 = arith.constant 0 : i32
        %dma_start3A_619 = arith.constant 0 : i32
        %dma_start3A_620 = tpu.memref_slice %arg2[%dma_start3A_618, %dma_start3A_619] : memref<1000000x64xf32, #tpu.memory_space<hbm>> -> memref<1000000x64xf32, #tpu.memory_space<hbm>>
        tpu.enqueue_indirect_dma source(%dma_start3A_620 : memref<1000000x64xf32, #tpu.memory_space<hbm>>) target(%dma_start3A_614 : memref<128x64xf32, #tpu.memory_space<vmem>>) offsets(%dma_start3A_617 : memref<128xi32, #tpu.memory_space<vmem>>) semaphore(%arg7 : memref<!tpu.dma_semaphore, #tpu.memory_space<semaphore_mem>>)
      } else {
      }
      %mul3A_327 = arith.constant 8 : i32
      %mul3A_328 = arith.muli %scan3A_244, %mul3A_327 : i32
      %add3A_329 = arith.constant 2 : i32
      %add3A_330 = arith.addi %mul3A_328, %add3A_329 : i32
      %dma_wait3A_331 = arith.constant 2 : i32
      %dma_wait3A_332 = arith.constant 0 : i32
      %dma_wait3A_333 = arith.constant 0 : i32
      %dma_wait3A_334 = tpu.memref_slice %arg6[%dma_wait3A_331, %dma_wait3A_332, %dma_wait3A_333] : memref<8x128x64xf32, #tpu.memory_space<vmem>> -> memref<1x128x64xf32, #tpu.memory_space<vmem>>
      %dma_wait3A_335 = tpu.memref_squeeze %dma_wait3A_334 : memref<1x128x64xf32, #tpu.memory_space<vmem>> -> memref<128x64xf32, #tpu.memory_space<vmem>>
      %dma_wait3A_336 = arith.constant 0 : i32
      %dma_wait3A_337 = tpu.memref_slice %arg5[%add3A_330, %dma_wait3A_336] : memref<200x128xi32, #tpu.memory_space<vmem>> -> memref<1x128xi32, #tpu.memory_space<vmem>>
      %dma_wait3A_338 = tpu.memref_squeeze %dma_wait3A_337 : memref<1x128xi32, #tpu.memory_space<vmem>> -> memref<128xi32, #tpu.memory_space<vmem>>
      %dma_wait3A_339 = arith.constant 0 : i32
      %dma_wait3A_340 = arith.constant 0 : i32
      %dma_wait3A_341 = tpu.memref_slice %arg2[%dma_wait3A_339, %dma_wait3A_340] : memref<1000000x64xf32, #tpu.memory_space<hbm>> -> memref<1000000x64xf32, #tpu.memory_space<hbm>>
      tpu.wait_indirect_dma semaphore(%arg7 : memref<!tpu.dma_semaphore, #tpu.memory_space<semaphore_mem>>) src(%dma_wait3A_341 : memref<1000000x64xf32, #tpu.memory_space<hbm>>) dst(%dma_wait3A_335 : memref<128x64xf32, #tpu.memory_space<vmem>>)
      %dma_start3A_342 = arith.constant 2 : i32
      %dma_start3A_343 = arith.constant 0 : i32
      %dma_start3A_344 = arith.constant 0 : i32
      %dma_start3A_345 = tpu.memref_slice %arg6[%dma_start3A_342, %dma_start3A_343, %dma_start3A_344] : memref<8x128x64xf32, #tpu.memory_space<vmem>> -> memref<1x128x64xf32, #tpu.memory_space<vmem>>
      %dma_start3A_346 = tpu.memref_squeeze %dma_start3A_345 : memref<1x128x64xf32, #tpu.memory_space<vmem>> -> memref<128x64xf32, #tpu.memory_space<vmem>>
      %dma_start3A_347 = arith.constant 0 : i32
      %dma_start3A_348 = arith.constant 0 : i32
      %dma_start3A_349 = tpu.memref_slice %arg4[%add3A, %add3A_330, %dma_start3A_347, %dma_start3A_348] : memref<32x200x128x64xf32, #tpu.memory_space<hbm>> -> memref<1x1x128x64xf32, #tpu.memory_space<hbm>>
      %dma_start3A_350 = tpu.memref_squeeze %dma_start3A_349 : memref<1x1x128x64xf32, #tpu.memory_space<hbm>> -> memref<128x64xf32, #tpu.memory_space<hbm>>
      %dma_start3A_351 = arith.constant 0 : i32
      %dma_start3A_352 = arith.constant 0 : i32
      %dma_start3A_353 = tpu.memref_slice %arg4[%add3A, %add3A_330, %dma_start3A_351, %dma_start3A_352] : memref<32x200x128x64xf32, #tpu.memory_space<hbm>> -> memref<1x1x128x64xf32, #tpu.memory_space<hbm>>
      %dma_start3A_354 = tpu.memref_squeeze %dma_start3A_353 : memref<1x1x128x64xf32, #tpu.memory_space<hbm>> -> memref<128x64xf32, #tpu.memory_space<hbm>>
      %dma_start3A_355 = arith.constant 0 : i32
      %dma_start3A_356 = arith.constant 0 : i32
      %dma_start3A_357 = tpu.memref_slice %arg6[%dma_start3A_342, %dma_start3A_355, %dma_start3A_356] : memref<8x128x64xf32, #tpu.memory_space<vmem>> -> memref<1x128x64xf32, #tpu.memory_space<vmem>>
      %dma_start3A_358 = tpu.memref_squeeze %dma_start3A_357 : memref<1x128x64xf32, #tpu.memory_space<vmem>> -> memref<128x64xf32, #tpu.memory_space<vmem>>
      tpu.enqueue_dma source(%dma_start3A_358 : memref<128x64xf32, #tpu.memory_space<vmem>>) target(%dma_start3A_354 : memref<128x64xf32, #tpu.memory_space<hbm>>) target_semaphore(%arg8 : memref<!tpu.dma_semaphore, #tpu.memory_space<semaphore_mem>>)
      %add3A_359 = arith.constant 8 : i32
      %add3A_360 = arith.addi %add3A_330, %add3A_359 : i32
      %sub3A_361 = arith.constant 4 : i32
      %sub3A_362 = arith.subi %add3A_360, %sub3A_361 : i32
      %ge3A_363 = arith.constant 8 : i32
      %ge3A_364 = arith.cmpi sge, %sub3A_362, %ge3A_363 : i32
      %lt3A_365 = arith.constant 200 : i32
      %lt3A_366 = arith.cmpi slt, %sub3A_362, %lt3A_365 : i32
      %and3A_367 = arith.andi %ge3A_364, %lt3A_366 : i1
      %convert_element_type3A_368 = arith.extui %and3A_367 : i1 to i32
      %cond3A_369 = arith.constant 0 : i32
      %cond3A_370 = arith.cmpi ne, %convert_element_type3A_368, %cond3A_369 : i32
      scf.if %cond3A_370 {
        %sub3A_591 = arith.constant 8 : i32
        %sub3A_592 = arith.subi %sub3A_362, %sub3A_591 : i32
        %dma_wait3A_593 = arith.constant 6 : i32
        %dma_wait3A_594 = arith.constant 0 : i32
        %dma_wait3A_595 = arith.constant 0 : i32
        %dma_wait3A_596 = tpu.memref_slice %arg6[%dma_wait3A_593, %dma_wait3A_594, %dma_wait3A_595] : memref<8x128x64xf32, #tpu.memory_space<vmem>> -> memref<1x128x64xf32, #tpu.memory_space<vmem>>
        %dma_wait3A_597 = tpu.memref_squeeze %dma_wait3A_596 : memref<1x128x64xf32, #tpu.memory_space<vmem>> -> memref<128x64xf32, #tpu.memory_space<vmem>>
        %dma_wait3A_598 = arith.constant 0 : i32
        %dma_wait3A_599 = arith.constant 0 : i32
        %dma_wait3A_600 = tpu.memref_slice %arg4[%add3A, %sub3A_592, %dma_wait3A_598, %dma_wait3A_599] : memref<32x200x128x64xf32, #tpu.memory_space<hbm>> -> memref<1x1x128x64xf32, #tpu.memory_space<hbm>>
        %dma_wait3A_601 = tpu.memref_squeeze %dma_wait3A_600 : memref<1x1x128x64xf32, #tpu.memory_space<hbm>> -> memref<128x64xf32, #tpu.memory_space<hbm>>
        %dma_wait3A_602 = arith.constant 0 : i32
        %dma_wait3A_603 = arith.constant 0 : i32
        %dma_wait3A_604 = tpu.memref_slice %arg4[%add3A, %sub3A_592, %dma_wait3A_602, %dma_wait3A_603] : memref<32x200x128x64xf32, #tpu.memory_space<hbm>> -> memref<1x1x128x64xf32, #tpu.memory_space<hbm>>
        %dma_wait3A_605 = tpu.memref_squeeze %dma_wait3A_604 : memref<1x1x128x64xf32, #tpu.memory_space<hbm>> -> memref<128x64xf32, #tpu.memory_space<hbm>>
        %dma_wait3A_606 = arith.constant 0 : i32
        %dma_wait3A_607 = arith.constant 0 : i32
        %dma_wait3A_608 = tpu.memref_slice %arg6[%dma_wait3A_593, %dma_wait3A_606, %dma_wait3A_607] : memref<8x128x64xf32, #tpu.memory_space<vmem>> -> memref<1x128x64xf32, #tpu.memory_space<vmem>>
        %dma_wait3A_609 = tpu.memref_squeeze %dma_wait3A_608 : memref<1x128x64xf32, #tpu.memory_space<vmem>> -> memref<128x64xf32, #tpu.memory_space<vmem>>
        tpu.wait_dma2 semaphore(%arg8 : memref<!tpu.dma_semaphore, #tpu.memory_space<semaphore_mem>>) src(%dma_wait3A_609 : memref<128x64xf32, #tpu.memory_space<vmem>>) dst(%dma_wait3A_605 : memref<128x64xf32, #tpu.memory_space<hbm>>)
        %dma_start3A_610 = arith.constant 6 : i32
        %dma_start3A_611 = arith.constant 0 : i32
        %dma_start3A_612 = arith.constant 0 : i32
        %dma_start3A_613 = tpu.memref_slice %arg6[%dma_start3A_610, %dma_start3A_611, %dma_start3A_612] : memref<8x128x64xf32, #tpu.memory_space<vmem>> -> memref<1x128x64xf32, #tpu.memory_space<vmem>>
        %dma_start3A_614 = tpu.memref_squeeze %dma_start3A_613 : memref<1x128x64xf32, #tpu.memory_space<vmem>> -> memref<128x64xf32, #tpu.memory_space<vmem>>
        %dma_start3A_615 = arith.constant 0 : i32
        %dma_start3A_616 = tpu.memref_slice %arg5[%sub3A_362, %dma_start3A_615] : memref<200x128xi32, #tpu.memory_space<vmem>> -> memref<1x128xi32, #tpu.memory_space<vmem>>
        %dma_start3A_617 = tpu.memref_squeeze %dma_start3A_616 : memref<1x128xi32, #tpu.memory_space<vmem>> -> memref<128xi32, #tpu.memory_space<vmem>>
        %dma_start3A_618 = arith.constant 0 : i32
        %dma_start3A_619 = arith.constant 0 : i32
        %dma_start3A_620 = tpu.memref_slice %arg2[%dma_start3A_618, %dma_start3A_619] : memref<1000000x64xf32, #tpu.memory_space<hbm>> -> memref<1000000x64xf32, #tpu.memory_space<hbm>>
        tpu.enqueue_indirect_dma source(%dma_start3A_620 : memref<1000000x64xf32, #tpu.memory_space<hbm>>) target(%dma_start3A_614 : memref<128x64xf32, #tpu.memory_space<vmem>>) offsets(%dma_start3A_617 : memref<128xi32, #tpu.memory_space<vmem>>) semaphore(%arg7 : memref<!tpu.dma_semaphore, #tpu.memory_space<semaphore_mem>>)
      } else {
      }
      %mul3A_371 = arith.constant 8 : i32
      %mul3A_372 = arith.muli %scan3A_244, %mul3A_371 : i32
      %add3A_373 = arith.constant 3 : i32
      %add3A_374 = arith.addi %mul3A_372, %add3A_373 : i32
      %dma_wait3A_375 = arith.constant 3 : i32
      %dma_wait3A_376 = arith.constant 0 : i32
      %dma_wait3A_377 = arith.constant 0 : i32
      %dma_wait3A_378 = tpu.memref_slice %arg6[%dma_wait3A_375, %dma_wait3A_376, %dma_wait3A_377] : memref<8x128x64xf32, #tpu.memory_space<vmem>> -> memref<1x128x64xf32, #tpu.memory_space<vmem>>
      %dma_wait3A_379 = tpu.memref_squeeze %dma_wait3A_378 : memref<1x128x64xf32, #tpu.memory_space<vmem>> -> memref<128x64xf32, #tpu.memory_space<vmem>>
      %dma_wait3A_380 = arith.constant 0 : i32
      %dma_wait3A_381 = tpu.memref_slice %arg5[%add3A_374, %dma_wait3A_380] : memref<200x128xi32, #tpu.memory_space<vmem>> -> memref<1x128xi32, #tpu.memory_space<vmem>>
      %dma_wait3A_382 = tpu.memref_squeeze %dma_wait3A_381 : memref<1x128xi32, #tpu.memory_space<vmem>> -> memref<128xi32, #tpu.memory_space<vmem>>
      %dma_wait3A_383 = arith.constant 0 : i32
      %dma_wait3A_384 = arith.constant 0 : i32
      %dma_wait3A_385 = tpu.memref_slice %arg2[%dma_wait3A_383, %dma_wait3A_384] : memref<1000000x64xf32, #tpu.memory_space<hbm>> -> memref<1000000x64xf32, #tpu.memory_space<hbm>>
      tpu.wait_indirect_dma semaphore(%arg7 : memref<!tpu.dma_semaphore, #tpu.memory_space<semaphore_mem>>) src(%dma_wait3A_385 : memref<1000000x64xf32, #tpu.memory_space<hbm>>) dst(%dma_wait3A_379 : memref<128x64xf32, #tpu.memory_space<vmem>>)
      %dma_start3A_386 = arith.constant 3 : i32
      %dma_start3A_387 = arith.constant 0 : i32
      %dma_start3A_388 = arith.constant 0 : i32
      %dma_start3A_389 = tpu.memref_slice %arg6[%dma_start3A_386, %dma_start3A_387, %dma_start3A_388] : memref<8x128x64xf32, #tpu.memory_space<vmem>> -> memref<1x128x64xf32, #tpu.memory_space<vmem>>
      %dma_start3A_390 = tpu.memref_squeeze %dma_start3A_389 : memref<1x128x64xf32, #tpu.memory_space<vmem>> -> memref<128x64xf32, #tpu.memory_space<vmem>>
      %dma_start3A_391 = arith.constant 0 : i32
      %dma_start3A_392 = arith.constant 0 : i32
      %dma_start3A_393 = tpu.memref_slice %arg4[%add3A, %add3A_374, %dma_start3A_391, %dma_start3A_392] : memref<32x200x128x64xf32, #tpu.memory_space<hbm>> -> memref<1x1x128x64xf32, #tpu.memory_space<hbm>>
      %dma_start3A_394 = tpu.memref_squeeze %dma_start3A_393 : memref<1x1x128x64xf32, #tpu.memory_space<hbm>> -> memref<128x64xf32, #tpu.memory_space<hbm>>
      %dma_start3A_395 = arith.constant 0 : i32
      %dma_start3A_396 = arith.constant 0 : i32
      %dma_start3A_397 = tpu.memref_slice %arg4[%add3A, %add3A_374, %dma_start3A_395, %dma_start3A_396] : memref<32x200x128x64xf32, #tpu.memory_space<hbm>> -> memref<1x1x128x64xf32, #tpu.memory_space<hbm>>
      %dma_start3A_398 = tpu.memref_squeeze %dma_start3A_397 : memref<1x1x128x64xf32, #tpu.memory_space<hbm>> -> memref<128x64xf32, #tpu.memory_space<hbm>>
      %dma_start3A_399 = arith.constant 0 : i32
      %dma_start3A_400 = arith.constant 0 : i32
      %dma_start3A_401 = tpu.memref_slice %arg6[%dma_start3A_386, %dma_start3A_399, %dma_start3A_400] : memref<8x128x64xf32, #tpu.memory_space<vmem>> -> memref<1x128x64xf32, #tpu.memory_space<vmem>>
      %dma_start3A_402 = tpu.memref_squeeze %dma_start3A_401 : memref<1x128x64xf32, #tpu.memory_space<vmem>> -> memref<128x64xf32, #tpu.memory_space<vmem>>
      tpu.enqueue_dma source(%dma_start3A_402 : memref<128x64xf32, #tpu.memory_space<vmem>>) target(%dma_start3A_398 : memref<128x64xf32, #tpu.memory_space<hbm>>) target_semaphore(%arg8 : memref<!tpu.dma_semaphore, #tpu.memory_space<semaphore_mem>>)
      %add3A_403 = arith.constant 8 : i32
      %add3A_404 = arith.addi %add3A_374, %add3A_403 : i32
      %sub3A_405 = arith.constant 4 : i32
      %sub3A_406 = arith.subi %add3A_404, %sub3A_405 : i32
      %ge3A_407 = arith.constant 8 : i32
      %ge3A_408 = arith.cmpi sge, %sub3A_406, %ge3A_407 : i32
      %lt3A_409 = arith.constant 200 : i32
      %lt3A_410 = arith.cmpi slt, %sub3A_406, %lt3A_409 : i32
      %and3A_411 = arith.andi %ge3A_408, %lt3A_410 : i1
      %convert_element_type3A_412 = arith.extui %and3A_411 : i1 to i32
      %cond3A_413 = arith.constant 0 : i32
      %cond3A_414 = arith.cmpi ne, %convert_element_type3A_412, %cond3A_413 : i32
      scf.if %cond3A_414 {
        %sub3A_591 = arith.constant 8 : i32
        %sub3A_592 = arith.subi %sub3A_406, %sub3A_591 : i32
        %dma_wait3A_593 = arith.constant 7 : i32
        %dma_wait3A_594 = arith.constant 0 : i32
        %dma_wait3A_595 = arith.constant 0 : i32
        %dma_wait3A_596 = tpu.memref_slice %arg6[%dma_wait3A_593, %dma_wait3A_594, %dma_wait3A_595] : memref<8x128x64xf32, #tpu.memory_space<vmem>> -> memref<1x128x64xf32, #tpu.memory_space<vmem>>
        %dma_wait3A_597 = tpu.memref_squeeze %dma_wait3A_596 : memref<1x128x64xf32, #tpu.memory_space<vmem>> -> memref<128x64xf32, #tpu.memory_space<vmem>>
        %dma_wait3A_598 = arith.constant 0 : i32
        %dma_wait3A_599 = arith.constant 0 : i32
        %dma_wait3A_600 = tpu.memref_slice %arg4[%add3A, %sub3A_592, %dma_wait3A_598, %dma_wait3A_599] : memref<32x200x128x64xf32, #tpu.memory_space<hbm>> -> memref<1x1x128x64xf32, #tpu.memory_space<hbm>>
        %dma_wait3A_601 = tpu.memref_squeeze %dma_wait3A_600 : memref<1x1x128x64xf32, #tpu.memory_space<hbm>> -> memref<128x64xf32, #tpu.memory_space<hbm>>
        %dma_wait3A_602 = arith.constant 0 : i32
        %dma_wait3A_603 = arith.constant 0 : i32
        %dma_wait3A_604 = tpu.memref_slice %arg4[%add3A, %sub3A_592, %dma_wait3A_602, %dma_wait3A_603] : memref<32x200x128x64xf32, #tpu.memory_space<hbm>> -> memref<1x1x128x64xf32, #tpu.memory_space<hbm>>
        %dma_wait3A_605 = tpu.memref_squeeze %dma_wait3A_604 : memref<1x1x128x64xf32, #tpu.memory_space<hbm>> -> memref<128x64xf32, #tpu.memory_space<hbm>>
        %dma_wait3A_606 = arith.constant 0 : i32
        %dma_wait3A_607 = arith.constant 0 : i32
        %dma_wait3A_608 = tpu.memref_slice %arg6[%dma_wait3A_593, %dma_wait3A_606, %dma_wait3A_607] : memref<8x128x64xf32, #tpu.memory_space<vmem>> -> memref<1x128x64xf32, #tpu.memory_space<vmem>>
        %dma_wait3A_609 = tpu.memref_squeeze %dma_wait3A_608 : memref<1x128x64xf32, #tpu.memory_space<vmem>> -> memref<128x64xf32, #tpu.memory_space<vmem>>
        tpu.wait_dma2 semaphore(%arg8 : memref<!tpu.dma_semaphore, #tpu.memory_space<semaphore_mem>>) src(%dma_wait3A_609 : memref<128x64xf32, #tpu.memory_space<vmem>>) dst(%dma_wait3A_605 : memref<128x64xf32, #tpu.memory_space<hbm>>)
        %dma_start3A_610 = arith.constant 7 : i32
        %dma_start3A_611 = arith.constant 0 : i32
        %dma_start3A_612 = arith.constant 0 : i32
        %dma_start3A_613 = tpu.memref_slice %arg6[%dma_start3A_610, %dma_start3A_611, %dma_start3A_612] : memref<8x128x64xf32, #tpu.memory_space<vmem>> -> memref<1x128x64xf32, #tpu.memory_space<vmem>>
        %dma_start3A_614 = tpu.memref_squeeze %dma_start3A_613 : memref<1x128x64xf32, #tpu.memory_space<vmem>> -> memref<128x64xf32, #tpu.memory_space<vmem>>
        %dma_start3A_615 = arith.constant 0 : i32
        %dma_start3A_616 = tpu.memref_slice %arg5[%sub3A_406, %dma_start3A_615] : memref<200x128xi32, #tpu.memory_space<vmem>> -> memref<1x128xi32, #tpu.memory_space<vmem>>
        %dma_start3A_617 = tpu.memref_squeeze %dma_start3A_616 : memref<1x128xi32, #tpu.memory_space<vmem>> -> memref<128xi32, #tpu.memory_space<vmem>>
        %dma_start3A_618 = arith.constant 0 : i32
        %dma_start3A_619 = arith.constant 0 : i32
        %dma_start3A_620 = tpu.memref_slice %arg2[%dma_start3A_618, %dma_start3A_619] : memref<1000000x64xf32, #tpu.memory_space<hbm>> -> memref<1000000x64xf32, #tpu.memory_space<hbm>>
        tpu.enqueue_indirect_dma source(%dma_start3A_620 : memref<1000000x64xf32, #tpu.memory_space<hbm>>) target(%dma_start3A_614 : memref<128x64xf32, #tpu.memory_space<vmem>>) offsets(%dma_start3A_617 : memref<128xi32, #tpu.memory_space<vmem>>) semaphore(%arg7 : memref<!tpu.dma_semaphore, #tpu.memory_space<semaphore_mem>>)
      } else {
      }
      %mul3A_415 = arith.constant 8 : i32
      %mul3A_416 = arith.muli %scan3A_244, %mul3A_415 : i32
      %add3A_417 = arith.constant 4 : i32
      %add3A_418 = arith.addi %mul3A_416, %add3A_417 : i32
      %dma_wait3A_419 = arith.constant 4 : i32
      %dma_wait3A_420 = arith.constant 0 : i32
      %dma_wait3A_421 = arith.constant 0 : i32
      %dma_wait3A_422 = tpu.memref_slice %arg6[%dma_wait3A_419, %dma_wait3A_420, %dma_wait3A_421] : memref<8x128x64xf32, #tpu.memory_space<vmem>> -> memref<1x128x64xf32, #tpu.memory_space<vmem>>
      %dma_wait3A_423 = tpu.memref_squeeze %dma_wait3A_422 : memref<1x128x64xf32, #tpu.memory_space<vmem>> -> memref<128x64xf32, #tpu.memory_space<vmem>>
      %dma_wait3A_424 = arith.constant 0 : i32
      %dma_wait3A_425 = tpu.memref_slice %arg5[%add3A_418, %dma_wait3A_424] : memref<200x128xi32, #tpu.memory_space<vmem>> -> memref<1x128xi32, #tpu.memory_space<vmem>>
      %dma_wait3A_426 = tpu.memref_squeeze %dma_wait3A_425 : memref<1x128xi32, #tpu.memory_space<vmem>> -> memref<128xi32, #tpu.memory_space<vmem>>
      %dma_wait3A_427 = arith.constant 0 : i32
      %dma_wait3A_428 = arith.constant 0 : i32
      %dma_wait3A_429 = tpu.memref_slice %arg2[%dma_wait3A_427, %dma_wait3A_428] : memref<1000000x64xf32, #tpu.memory_space<hbm>> -> memref<1000000x64xf32, #tpu.memory_space<hbm>>
      tpu.wait_indirect_dma semaphore(%arg7 : memref<!tpu.dma_semaphore, #tpu.memory_space<semaphore_mem>>) src(%dma_wait3A_429 : memref<1000000x64xf32, #tpu.memory_space<hbm>>) dst(%dma_wait3A_423 : memref<128x64xf32, #tpu.memory_space<vmem>>)
      %dma_start3A_430 = arith.constant 4 : i32
      %dma_start3A_431 = arith.constant 0 : i32
      %dma_start3A_432 = arith.constant 0 : i32
      %dma_start3A_433 = tpu.memref_slice %arg6[%dma_start3A_430, %dma_start3A_431, %dma_start3A_432] : memref<8x128x64xf32, #tpu.memory_space<vmem>> -> memref<1x128x64xf32, #tpu.memory_space<vmem>>
      %dma_start3A_434 = tpu.memref_squeeze %dma_start3A_433 : memref<1x128x64xf32, #tpu.memory_space<vmem>> -> memref<128x64xf32, #tpu.memory_space<vmem>>
      %dma_start3A_435 = arith.constant 0 : i32
      %dma_start3A_436 = arith.constant 0 : i32
      %dma_start3A_437 = tpu.memref_slice %arg4[%add3A, %add3A_418, %dma_start3A_435, %dma_start3A_436] : memref<32x200x128x64xf32, #tpu.memory_space<hbm>> -> memref<1x1x128x64xf32, #tpu.memory_space<hbm>>
      %dma_start3A_438 = tpu.memref_squeeze %dma_start3A_437 : memref<1x1x128x64xf32, #tpu.memory_space<hbm>> -> memref<128x64xf32, #tpu.memory_space<hbm>>
      %dma_start3A_439 = arith.constant 0 : i32
      %dma_start3A_440 = arith.constant 0 : i32
      %dma_start3A_441 = tpu.memref_slice %arg4[%add3A, %add3A_418, %dma_start3A_439, %dma_start3A_440] : memref<32x200x128x64xf32, #tpu.memory_space<hbm>> -> memref<1x1x128x64xf32, #tpu.memory_space<hbm>>
      %dma_start3A_442 = tpu.memref_squeeze %dma_start3A_441 : memref<1x1x128x64xf32, #tpu.memory_space<hbm>> -> memref<128x64xf32, #tpu.memory_space<hbm>>
      %dma_start3A_443 = arith.constant 0 : i32
      %dma_start3A_444 = arith.constant 0 : i32
      %dma_start3A_445 = tpu.memref_slice %arg6[%dma_start3A_430, %dma_start3A_443, %dma_start3A_444] : memref<8x128x64xf32, #tpu.memory_space<vmem>> -> memref<1x128x64xf32, #tpu.memory_space<vmem>>
      %dma_start3A_446 = tpu.memref_squeeze %dma_start3A_445 : memref<1x128x64xf32, #tpu.memory_space<vmem>> -> memref<128x64xf32, #tpu.memory_space<vmem>>
      tpu.enqueue_dma source(%dma_start3A_446 : memref<128x64xf32, #tpu.memory_space<vmem>>) target(%dma_start3A_442 : memref<128x64xf32, #tpu.memory_space<hbm>>) target_semaphore(%arg8 : memref<!tpu.dma_semaphore, #tpu.memory_space<semaphore_mem>>)
      %add3A_447 = arith.constant 8 : i32
      %add3A_448 = arith.addi %add3A_418, %add3A_447 : i32
      %sub3A_449 = arith.constant 4 : i32
      %sub3A_450 = arith.subi %add3A_448, %sub3A_449 : i32
      %ge3A_451 = arith.constant 8 : i32
      %ge3A_452 = arith.cmpi sge, %sub3A_450, %ge3A_451 : i32
      %lt3A_453 = arith.constant 200 : i32
      %lt3A_454 = arith.cmpi slt, %sub3A_450, %lt3A_453 : i32
      %and3A_455 = arith.andi %ge3A_452, %lt3A_454 : i1
      %convert_element_type3A_456 = arith.extui %and3A_455 : i1 to i32
      %cond3A_457 = arith.constant 0 : i32
      %cond3A_458 = arith.cmpi ne, %convert_element_type3A_456, %cond3A_457 : i32
      scf.if %cond3A_458 {
        %sub3A_591 = arith.constant 8 : i32
        %sub3A_592 = arith.subi %sub3A_450, %sub3A_591 : i32
        %dma_wait3A_593 = arith.constant 0 : i32
        %dma_wait3A_594 = arith.constant 0 : i32
        %dma_wait3A_595 = arith.constant 0 : i32
        %dma_wait3A_596 = tpu.memref_slice %arg6[%dma_wait3A_593, %dma_wait3A_594, %dma_wait3A_595] : memref<8x128x64xf32, #tpu.memory_space<vmem>> -> memref<1x128x64xf32, #tpu.memory_space<vmem>>
        %dma_wait3A_597 = tpu.memref_squeeze %dma_wait3A_596 : memref<1x128x64xf32, #tpu.memory_space<vmem>> -> memref<128x64xf32, #tpu.memory_space<vmem>>
        %dma_wait3A_598 = arith.constant 0 : i32
        %dma_wait3A_599 = arith.constant 0 : i32
        %dma_wait3A_600 = tpu.memref_slice %arg4[%add3A, %sub3A_592, %dma_wait3A_598, %dma_wait3A_599] : memref<32x200x128x64xf32, #tpu.memory_space<hbm>> -> memref<1x1x128x64xf32, #tpu.memory_space<hbm>>
        %dma_wait3A_601 = tpu.memref_squeeze %dma_wait3A_600 : memref<1x1x128x64xf32, #tpu.memory_space<hbm>> -> memref<128x64xf32, #tpu.memory_space<hbm>>
        %dma_wait3A_602 = arith.constant 0 : i32
        %dma_wait3A_603 = arith.constant 0 : i32
        %dma_wait3A_604 = tpu.memref_slice %arg4[%add3A, %sub3A_592, %dma_wait3A_602, %dma_wait3A_603] : memref<32x200x128x64xf32, #tpu.memory_space<hbm>> -> memref<1x1x128x64xf32, #tpu.memory_space<hbm>>
        %dma_wait3A_605 = tpu.memref_squeeze %dma_wait3A_604 : memref<1x1x128x64xf32, #tpu.memory_space<hbm>> -> memref<128x64xf32, #tpu.memory_space<hbm>>
        %dma_wait3A_606 = arith.constant 0 : i32
        %dma_wait3A_607 = arith.constant 0 : i32
        %dma_wait3A_608 = tpu.memref_slice %arg6[%dma_wait3A_593, %dma_wait3A_606, %dma_wait3A_607] : memref<8x128x64xf32, #tpu.memory_space<vmem>> -> memref<1x128x64xf32, #tpu.memory_space<vmem>>
        %dma_wait3A_609 = tpu.memref_squeeze %dma_wait3A_608 : memref<1x128x64xf32, #tpu.memory_space<vmem>> -> memref<128x64xf32, #tpu.memory_space<vmem>>
        tpu.wait_dma2 semaphore(%arg8 : memref<!tpu.dma_semaphore, #tpu.memory_space<semaphore_mem>>) src(%dma_wait3A_609 : memref<128x64xf32, #tpu.memory_space<vmem>>) dst(%dma_wait3A_605 : memref<128x64xf32, #tpu.memory_space<hbm>>)
        %dma_start3A_610 = arith.constant 0 : i32
        %dma_start3A_611 = arith.constant 0 : i32
        %dma_start3A_612 = arith.constant 0 : i32
        %dma_start3A_613 = tpu.memref_slice %arg6[%dma_start3A_610, %dma_start3A_611, %dma_start3A_612] : memref<8x128x64xf32, #tpu.memory_space<vmem>> -> memref<1x128x64xf32, #tpu.memory_space<vmem>>
        %dma_start3A_614 = tpu.memref_squeeze %dma_start3A_613 : memref<1x128x64xf32, #tpu.memory_space<vmem>> -> memref<128x64xf32, #tpu.memory_space<vmem>>
        %dma_start3A_615 = arith.constant 0 : i32
        %dma_start3A_616 = tpu.memref_slice %arg5[%sub3A_450, %dma_start3A_615] : memref<200x128xi32, #tpu.memory_space<vmem>> -> memref<1x128xi32, #tpu.memory_space<vmem>>
        %dma_start3A_617 = tpu.memref_squeeze %dma_start3A_616 : memref<1x128xi32, #tpu.memory_space<vmem>> -> memref<128xi32, #tpu.memory_space<vmem>>
        %dma_start3A_618 = arith.constant 0 : i32
        %dma_start3A_619 = arith.constant 0 : i32
        %dma_start3A_620 = tpu.memref_slice %arg2[%dma_start3A_618, %dma_start3A_619] : memref<1000000x64xf32, #tpu.memory_space<hbm>> -> memref<1000000x64xf32, #tpu.memory_space<hbm>>
        tpu.enqueue_indirect_dma source(%dma_start3A_620 : memref<1000000x64xf32, #tpu.memory_space<hbm>>) target(%dma_start3A_614 : memref<128x64xf32, #tpu.memory_space<vmem>>) offsets(%dma_start3A_617 : memref<128xi32, #tpu.memory_space<vmem>>) semaphore(%arg7 : memref<!tpu.dma_semaphore, #tpu.memory_space<semaphore_mem>>)
      } else {
      }
      %mul3A_459 = arith.constant 8 : i32
      %mul3A_460 = arith.muli %scan3A_244, %mul3A_459 : i32
      %add3A_461 = arith.constant 5 : i32
      %add3A_462 = arith.addi %mul3A_460, %add3A_461 : i32
      %dma_wait3A_463 = arith.constant 5 : i32
      %dma_wait3A_464 = arith.constant 0 : i32
      %dma_wait3A_465 = arith.constant 0 : i32
      %dma_wait3A_466 = tpu.memref_slice %arg6[%dma_wait3A_463, %dma_wait3A_464, %dma_wait3A_465] : memref<8x128x64xf32, #tpu.memory_space<vmem>> -> memref<1x128x64xf32, #tpu.memory_space<vmem>>
      %dma_wait3A_467 = tpu.memref_squeeze %dma_wait3A_466 : memref<1x128x64xf32, #tpu.memory_space<vmem>> -> memref<128x64xf32, #tpu.memory_space<vmem>>
      %dma_wait3A_468 = arith.constant 0 : i32
      %dma_wait3A_469 = tpu.memref_slice %arg5[%add3A_462, %dma_wait3A_468] : memref<200x128xi32, #tpu.memory_space<vmem>> -> memref<1x128xi32, #tpu.memory_space<vmem>>
      %dma_wait3A_470 = tpu.memref_squeeze %dma_wait3A_469 : memref<1x128xi32, #tpu.memory_space<vmem>> -> memref<128xi32, #tpu.memory_space<vmem>>
      %dma_wait3A_471 = arith.constant 0 : i32
      %dma_wait3A_472 = arith.constant 0 : i32
      %dma_wait3A_473 = tpu.memref_slice %arg2[%dma_wait3A_471, %dma_wait3A_472] : memref<1000000x64xf32, #tpu.memory_space<hbm>> -> memref<1000000x64xf32, #tpu.memory_space<hbm>>
      tpu.wait_indirect_dma semaphore(%arg7 : memref<!tpu.dma_semaphore, #tpu.memory_space<semaphore_mem>>) src(%dma_wait3A_473 : memref<1000000x64xf32, #tpu.memory_space<hbm>>) dst(%dma_wait3A_467 : memref<128x64xf32, #tpu.memory_space<vmem>>)
      %dma_start3A_474 = arith.constant 5 : i32
      %dma_start3A_475 = arith.constant 0 : i32
      %dma_start3A_476 = arith.constant 0 : i32
      %dma_start3A_477 = tpu.memref_slice %arg6[%dma_start3A_474, %dma_start3A_475, %dma_start3A_476] : memref<8x128x64xf32, #tpu.memory_space<vmem>> -> memref<1x128x64xf32, #tpu.memory_space<vmem>>
      %dma_start3A_478 = tpu.memref_squeeze %dma_start3A_477 : memref<1x128x64xf32, #tpu.memory_space<vmem>> -> memref<128x64xf32, #tpu.memory_space<vmem>>
      %dma_start3A_479 = arith.constant 0 : i32
      %dma_start3A_480 = arith.constant 0 : i32
      %dma_start3A_481 = tpu.memref_slice %arg4[%add3A, %add3A_462, %dma_start3A_479, %dma_start3A_480] : memref<32x200x128x64xf32, #tpu.memory_space<hbm>> -> memref<1x1x128x64xf32, #tpu.memory_space<hbm>>
      %dma_start3A_482 = tpu.memref_squeeze %dma_start3A_481 : memref<1x1x128x64xf32, #tpu.memory_space<hbm>> -> memref<128x64xf32, #tpu.memory_space<hbm>>
      %dma_start3A_483 = arith.constant 0 : i32
      %dma_start3A_484 = arith.constant 0 : i32
      %dma_start3A_485 = tpu.memref_slice %arg4[%add3A, %add3A_462, %dma_start3A_483, %dma_start3A_484] : memref<32x200x128x64xf32, #tpu.memory_space<hbm>> -> memref<1x1x128x64xf32, #tpu.memory_space<hbm>>
      %dma_start3A_486 = tpu.memref_squeeze %dma_start3A_485 : memref<1x1x128x64xf32, #tpu.memory_space<hbm>> -> memref<128x64xf32, #tpu.memory_space<hbm>>
      %dma_start3A_487 = arith.constant 0 : i32
      %dma_start3A_488 = arith.constant 0 : i32
      %dma_start3A_489 = tpu.memref_slice %arg6[%dma_start3A_474, %dma_start3A_487, %dma_start3A_488] : memref<8x128x64xf32, #tpu.memory_space<vmem>> -> memref<1x128x64xf32, #tpu.memory_space<vmem>>
      %dma_start3A_490 = tpu.memref_squeeze %dma_start3A_489 : memref<1x128x64xf32, #tpu.memory_space<vmem>> -> memref<128x64xf32, #tpu.memory_space<vmem>>
      tpu.enqueue_dma source(%dma_start3A_490 : memref<128x64xf32, #tpu.memory_space<vmem>>) target(%dma_start3A_486 : memref<128x64xf32, #tpu.memory_space<hbm>>) target_semaphore(%arg8 : memref<!tpu.dma_semaphore, #tpu.memory_space<semaphore_mem>>)
      %add3A_491 = arith.constant 8 : i32
      %add3A_492 = arith.addi %add3A_462, %add3A_491 : i32
      %sub3A_493 = arith.constant 4 : i32
      %sub3A_494 = arith.subi %add3A_492, %sub3A_493 : i32
      %ge3A_495 = arith.constant 8 : i32
      %ge3A_496 = arith.cmpi sge, %sub3A_494, %ge3A_495 : i32
      %lt3A_497 = arith.constant 200 : i32
      %lt3A_498 = arith.cmpi slt, %sub3A_494, %lt3A_497 : i32
      %and3A_499 = arith.andi %ge3A_496, %lt3A_498 : i1
      %convert_element_type3A_500 = arith.extui %and3A_499 : i1 to i32
      %cond3A_501 = arith.constant 0 : i32
      %cond3A_502 = arith.cmpi ne, %convert_element_type3A_500, %cond3A_501 : i32
      scf.if %cond3A_502 {
        %sub3A_591 = arith.constant 8 : i32
        %sub3A_592 = arith.subi %sub3A_494, %sub3A_591 : i32
        %dma_wait3A_593 = arith.constant 1 : i32
        %dma_wait3A_594 = arith.constant 0 : i32
        %dma_wait3A_595 = arith.constant 0 : i32
        %dma_wait3A_596 = tpu.memref_slice %arg6[%dma_wait3A_593, %dma_wait3A_594, %dma_wait3A_595] : memref<8x128x64xf32, #tpu.memory_space<vmem>> -> memref<1x128x64xf32, #tpu.memory_space<vmem>>
        %dma_wait3A_597 = tpu.memref_squeeze %dma_wait3A_596 : memref<1x128x64xf32, #tpu.memory_space<vmem>> -> memref<128x64xf32, #tpu.memory_space<vmem>>
        %dma_wait3A_598 = arith.constant 0 : i32
        %dma_wait3A_599 = arith.constant 0 : i32
        %dma_wait3A_600 = tpu.memref_slice %arg4[%add3A, %sub3A_592, %dma_wait3A_598, %dma_wait3A_599] : memref<32x200x128x64xf32, #tpu.memory_space<hbm>> -> memref<1x1x128x64xf32, #tpu.memory_space<hbm>>
        %dma_wait3A_601 = tpu.memref_squeeze %dma_wait3A_600 : memref<1x1x128x64xf32, #tpu.memory_space<hbm>> -> memref<128x64xf32, #tpu.memory_space<hbm>>
        %dma_wait3A_602 = arith.constant 0 : i32
        %dma_wait3A_603 = arith.constant 0 : i32
        %dma_wait3A_604 = tpu.memref_slice %arg4[%add3A, %sub3A_592, %dma_wait3A_602, %dma_wait3A_603] : memref<32x200x128x64xf32, #tpu.memory_space<hbm>> -> memref<1x1x128x64xf32, #tpu.memory_space<hbm>>
        %dma_wait3A_605 = tpu.memref_squeeze %dma_wait3A_604 : memref<1x1x128x64xf32, #tpu.memory_space<hbm>> -> memref<128x64xf32, #tpu.memory_space<hbm>>
        %dma_wait3A_606 = arith.constant 0 : i32
        %dma_wait3A_607 = arith.constant 0 : i32
        %dma_wait3A_608 = tpu.memref_slice %arg6[%dma_wait3A_593, %dma_wait3A_606, %dma_wait3A_607] : memref<8x128x64xf32, #tpu.memory_space<vmem>> -> memref<1x128x64xf32, #tpu.memory_space<vmem>>
        %dma_wait3A_609 = tpu.memref_squeeze %dma_wait3A_608 : memref<1x128x64xf32, #tpu.memory_space<vmem>> -> memref<128x64xf32, #tpu.memory_space<vmem>>
        tpu.wait_dma2 semaphore(%arg8 : memref<!tpu.dma_semaphore, #tpu.memory_space<semaphore_mem>>) src(%dma_wait3A_609 : memref<128x64xf32, #tpu.memory_space<vmem>>) dst(%dma_wait3A_605 : memref<128x64xf32, #tpu.memory_space<hbm>>)
        %dma_start3A_610 = arith.constant 1 : i32
        %dma_start3A_611 = arith.constant 0 : i32
        %dma_start3A_612 = arith.constant 0 : i32
        %dma_start3A_613 = tpu.memref_slice %arg6[%dma_start3A_610, %dma_start3A_611, %dma_start3A_612] : memref<8x128x64xf32, #tpu.memory_space<vmem>> -> memref<1x128x64xf32, #tpu.memory_space<vmem>>
        %dma_start3A_614 = tpu.memref_squeeze %dma_start3A_613 : memref<1x128x64xf32, #tpu.memory_space<vmem>> -> memref<128x64xf32, #tpu.memory_space<vmem>>
        %dma_start3A_615 = arith.constant 0 : i32
        %dma_start3A_616 = tpu.memref_slice %arg5[%sub3A_494, %dma_start3A_615] : memref<200x128xi32, #tpu.memory_space<vmem>> -> memref<1x128xi32, #tpu.memory_space<vmem>>
        %dma_start3A_617 = tpu.memref_squeeze %dma_start3A_616 : memref<1x128xi32, #tpu.memory_space<vmem>> -> memref<128xi32, #tpu.memory_space<vmem>>
        %dma_start3A_618 = arith.constant 0 : i32
        %dma_start3A_619 = arith.constant 0 : i32
        %dma_start3A_620 = tpu.memref_slice %arg2[%dma_start3A_618, %dma_start3A_619] : memref<1000000x64xf32, #tpu.memory_space<hbm>> -> memref<1000000x64xf32, #tpu.memory_space<hbm>>
        tpu.enqueue_indirect_dma source(%dma_start3A_620 : memref<1000000x64xf32, #tpu.memory_space<hbm>>) target(%dma_start3A_614 : memref<128x64xf32, #tpu.memory_space<vmem>>) offsets(%dma_start3A_617 : memref<128xi32, #tpu.memory_space<vmem>>) semaphore(%arg7 : memref<!tpu.dma_semaphore, #tpu.memory_space<semaphore_mem>>)
      } else {
      }
      %mul3A_503 = arith.constant 8 : i32
      %mul3A_504 = arith.muli %scan3A_244, %mul3A_503 : i32
      %add3A_505 = arith.constant 6 : i32
      %add3A_506 = arith.addi %mul3A_504, %add3A_505 : i32
      %dma_wait3A_507 = arith.constant 6 : i32
      %dma_wait3A_508 = arith.constant 0 : i32
      %dma_wait3A_509 = arith.constant 0 : i32
      %dma_wait3A_510 = tpu.memref_slice %arg6[%dma_wait3A_507, %dma_wait3A_508, %dma_wait3A_509] : memref<8x128x64xf32, #tpu.memory_space<vmem>> -> memref<1x128x64xf32, #tpu.memory_space<vmem>>
      %dma_wait3A_511 = tpu.memref_squeeze %dma_wait3A_510 : memref<1x128x64xf32, #tpu.memory_space<vmem>> -> memref<128x64xf32, #tpu.memory_space<vmem>>
      %dma_wait3A_512 = arith.constant 0 : i32
      %dma_wait3A_513 = tpu.memref_slice %arg5[%add3A_506, %dma_wait3A_512] : memref<200x128xi32, #tpu.memory_space<vmem>> -> memref<1x128xi32, #tpu.memory_space<vmem>>
      %dma_wait3A_514 = tpu.memref_squeeze %dma_wait3A_513 : memref<1x128xi32, #tpu.memory_space<vmem>> -> memref<128xi32, #tpu.memory_space<vmem>>
      %dma_wait3A_515 = arith.constant 0 : i32
      %dma_wait3A_516 = arith.constant 0 : i32
      %dma_wait3A_517 = tpu.memref_slice %arg2[%dma_wait3A_515, %dma_wait3A_516] : memref<1000000x64xf32, #tpu.memory_space<hbm>> -> memref<1000000x64xf32, #tpu.memory_space<hbm>>
      tpu.wait_indirect_dma semaphore(%arg7 : memref<!tpu.dma_semaphore, #tpu.memory_space<semaphore_mem>>) src(%dma_wait3A_517 : memref<1000000x64xf32, #tpu.memory_space<hbm>>) dst(%dma_wait3A_511 : memref<128x64xf32, #tpu.memory_space<vmem>>)
      %dma_start3A_518 = arith.constant 6 : i32
      %dma_start3A_519 = arith.constant 0 : i32
      %dma_start3A_520 = arith.constant 0 : i32
      %dma_start3A_521 = tpu.memref_slice %arg6[%dma_start3A_518, %dma_start3A_519, %dma_start3A_520] : memref<8x128x64xf32, #tpu.memory_space<vmem>> -> memref<1x128x64xf32, #tpu.memory_space<vmem>>
      %dma_start3A_522 = tpu.memref_squeeze %dma_start3A_521 : memref<1x128x64xf32, #tpu.memory_space<vmem>> -> memref<128x64xf32, #tpu.memory_space<vmem>>
      %dma_start3A_523 = arith.constant 0 : i32
      %dma_start3A_524 = arith.constant 0 : i32
      %dma_start3A_525 = tpu.memref_slice %arg4[%add3A, %add3A_506, %dma_start3A_523, %dma_start3A_524] : memref<32x200x128x64xf32, #tpu.memory_space<hbm>> -> memref<1x1x128x64xf32, #tpu.memory_space<hbm>>
      %dma_start3A_526 = tpu.memref_squeeze %dma_start3A_525 : memref<1x1x128x64xf32, #tpu.memory_space<hbm>> -> memref<128x64xf32, #tpu.memory_space<hbm>>
      %dma_start3A_527 = arith.constant 0 : i32
      %dma_start3A_528 = arith.constant 0 : i32
      %dma_start3A_529 = tpu.memref_slice %arg4[%add3A, %add3A_506, %dma_start3A_527, %dma_start3A_528] : memref<32x200x128x64xf32, #tpu.memory_space<hbm>> -> memref<1x1x128x64xf32, #tpu.memory_space<hbm>>
      %dma_start3A_530 = tpu.memref_squeeze %dma_start3A_529 : memref<1x1x128x64xf32, #tpu.memory_space<hbm>> -> memref<128x64xf32, #tpu.memory_space<hbm>>
      %dma_start3A_531 = arith.constant 0 : i32
      %dma_start3A_532 = arith.constant 0 : i32
      %dma_start3A_533 = tpu.memref_slice %arg6[%dma_start3A_518, %dma_start3A_531, %dma_start3A_532] : memref<8x128x64xf32, #tpu.memory_space<vmem>> -> memref<1x128x64xf32, #tpu.memory_space<vmem>>
      %dma_start3A_534 = tpu.memref_squeeze %dma_start3A_533 : memref<1x128x64xf32, #tpu.memory_space<vmem>> -> memref<128x64xf32, #tpu.memory_space<vmem>>
      tpu.enqueue_dma source(%dma_start3A_534 : memref<128x64xf32, #tpu.memory_space<vmem>>) target(%dma_start3A_530 : memref<128x64xf32, #tpu.memory_space<hbm>>) target_semaphore(%arg8 : memref<!tpu.dma_semaphore, #tpu.memory_space<semaphore_mem>>)
      %add3A_535 = arith.constant 8 : i32
      %add3A_536 = arith.addi %add3A_506, %add3A_535 : i32
      %sub3A_537 = arith.constant 4 : i32
      %sub3A_538 = arith.subi %add3A_536, %sub3A_537 : i32
      %ge3A_539 = arith.constant 8 : i32
      %ge3A_540 = arith.cmpi sge, %sub3A_538, %ge3A_539 : i32
      %lt3A_541 = arith.constant 200 : i32
      %lt3A_542 = arith.cmpi slt, %sub3A_538, %lt3A_541 : i32
      %and3A_543 = arith.andi %ge3A_540, %lt3A_542 : i1
      %convert_element_type3A_544 = arith.extui %and3A_543 : i1 to i32
      %cond3A_545 = arith.constant 0 : i32
      %cond3A_546 = arith.cmpi ne, %convert_element_type3A_544, %cond3A_545 : i32
      scf.if %cond3A_546 {
        %sub3A_591 = arith.constant 8 : i32
        %sub3A_592 = arith.subi %sub3A_538, %sub3A_591 : i32
        %dma_wait3A_593 = arith.constant 2 : i32
        %dma_wait3A_594 = arith.constant 0 : i32
        %dma_wait3A_595 = arith.constant 0 : i32
        %dma_wait3A_596 = tpu.memref_slice %arg6[%dma_wait3A_593, %dma_wait3A_594, %dma_wait3A_595] : memref<8x128x64xf32, #tpu.memory_space<vmem>> -> memref<1x128x64xf32, #tpu.memory_space<vmem>>
        %dma_wait3A_597 = tpu.memref_squeeze %dma_wait3A_596 : memref<1x128x64xf32, #tpu.memory_space<vmem>> -> memref<128x64xf32, #tpu.memory_space<vmem>>
        %dma_wait3A_598 = arith.constant 0 : i32
        %dma_wait3A_599 = arith.constant 0 : i32
        %dma_wait3A_600 = tpu.memref_slice %arg4[%add3A, %sub3A_592, %dma_wait3A_598, %dma_wait3A_599] : memref<32x200x128x64xf32, #tpu.memory_space<hbm>> -> memref<1x1x128x64xf32, #tpu.memory_space<hbm>>
        %dma_wait3A_601 = tpu.memref_squeeze %dma_wait3A_600 : memref<1x1x128x64xf32, #tpu.memory_space<hbm>> -> memref<128x64xf32, #tpu.memory_space<hbm>>
        %dma_wait3A_602 = arith.constant 0 : i32
        %dma_wait3A_603 = arith.constant 0 : i32
        %dma_wait3A_604 = tpu.memref_slice %arg4[%add3A, %sub3A_592, %dma_wait3A_602, %dma_wait3A_603] : memref<32x200x128x64xf32, #tpu.memory_space<hbm>> -> memref<1x1x128x64xf32, #tpu.memory_space<hbm>>
        %dma_wait3A_605 = tpu.memref_squeeze %dma_wait3A_604 : memref<1x1x128x64xf32, #tpu.memory_space<hbm>> -> memref<128x64xf32, #tpu.memory_space<hbm>>
        %dma_wait3A_606 = arith.constant 0 : i32
        %dma_wait3A_607 = arith.constant 0 : i32
        %dma_wait3A_608 = tpu.memref_slice %arg6[%dma_wait3A_593, %dma_wait3A_606, %dma_wait3A_607] : memref<8x128x64xf32, #tpu.memory_space<vmem>> -> memref<1x128x64xf32, #tpu.memory_space<vmem>>
        %dma_wait3A_609 = tpu.memref_squeeze %dma_wait3A_608 : memref<1x128x64xf32, #tpu.memory_space<vmem>> -> memref<128x64xf32, #tpu.memory_space<vmem>>
        tpu.wait_dma2 semaphore(%arg8 : memref<!tpu.dma_semaphore, #tpu.memory_space<semaphore_mem>>) src(%dma_wait3A_609 : memref<128x64xf32, #tpu.memory_space<vmem>>) dst(%dma_wait3A_605 : memref<128x64xf32, #tpu.memory_space<hbm>>)
        %dma_start3A_610 = arith.constant 2 : i32
        %dma_start3A_611 = arith.constant 0 : i32
        %dma_start3A_612 = arith.constant 0 : i32
        %dma_start3A_613 = tpu.memref_slice %arg6[%dma_start3A_610, %dma_start3A_611, %dma_start3A_612] : memref<8x128x64xf32, #tpu.memory_space<vmem>> -> memref<1x128x64xf32, #tpu.memory_space<vmem>>
        %dma_start3A_614 = tpu.memref_squeeze %dma_start3A_613 : memref<1x128x64xf32, #tpu.memory_space<vmem>> -> memref<128x64xf32, #tpu.memory_space<vmem>>
        %dma_start3A_615 = arith.constant 0 : i32
        %dma_start3A_616 = tpu.memref_slice %arg5[%sub3A_538, %dma_start3A_615] : memref<200x128xi32, #tpu.memory_space<vmem>> -> memref<1x128xi32, #tpu.memory_space<vmem>>
        %dma_start3A_617 = tpu.memref_squeeze %dma_start3A_616 : memref<1x128xi32, #tpu.memory_space<vmem>> -> memref<128xi32, #tpu.memory_space<vmem>>
        %dma_start3A_618 = arith.constant 0 : i32
        %dma_start3A_619 = arith.constant 0 : i32
        %dma_start3A_620 = tpu.memref_slice %arg2[%dma_start3A_618, %dma_start3A_619] : memref<1000000x64xf32, #tpu.memory_space<hbm>> -> memref<1000000x64xf32, #tpu.memory_space<hbm>>
        tpu.enqueue_indirect_dma source(%dma_start3A_620 : memref<1000000x64xf32, #tpu.memory_space<hbm>>) target(%dma_start3A_614 : memref<128x64xf32, #tpu.memory_space<vmem>>) offsets(%dma_start3A_617 : memref<128xi32, #tpu.memory_space<vmem>>) semaphore(%arg7 : memref<!tpu.dma_semaphore, #tpu.memory_space<semaphore_mem>>)
      } else {
      }
      %mul3A_547 = arith.constant 8 : i32
      %mul3A_548 = arith.muli %scan3A_244, %mul3A_547 : i32
      %add3A_549 = arith.constant 7 : i32
      %add3A_550 = arith.addi %mul3A_548, %add3A_549 : i32
      %dma_wait3A_551 = arith.constant 7 : i32
      %dma_wait3A_552 = arith.constant 0 : i32
      %dma_wait3A_553 = arith.constant 0 : i32
      %dma_wait3A_554 = tpu.memref_slice %arg6[%dma_wait3A_551, %dma_wait3A_552, %dma_wait3A_553] : memref<8x128x64xf32, #tpu.memory_space<vmem>> -> memref<1x128x64xf32, #tpu.memory_space<vmem>>
      %dma_wait3A_555 = tpu.memref_squeeze %dma_wait3A_554 : memref<1x128x64xf32, #tpu.memory_space<vmem>> -> memref<128x64xf32, #tpu.memory_space<vmem>>
      %dma_wait3A_556 = arith.constant 0 : i32
      %dma_wait3A_557 = tpu.memref_slice %arg5[%add3A_550, %dma_wait3A_556] : memref<200x128xi32, #tpu.memory_space<vmem>> -> memref<1x128xi32, #tpu.memory_space<vmem>>
      %dma_wait3A_558 = tpu.memref_squeeze %dma_wait3A_557 : memref<1x128xi32, #tpu.memory_space<vmem>> -> memref<128xi32, #tpu.memory_space<vmem>>
      %dma_wait3A_559 = arith.constant 0 : i32
      %dma_wait3A_560 = arith.constant 0 : i32
      %dma_wait3A_561 = tpu.memref_slice %arg2[%dma_wait3A_559, %dma_wait3A_560] : memref<1000000x64xf32, #tpu.memory_space<hbm>> -> memref<1000000x64xf32, #tpu.memory_space<hbm>>
      tpu.wait_indirect_dma semaphore(%arg7 : memref<!tpu.dma_semaphore, #tpu.memory_space<semaphore_mem>>) src(%dma_wait3A_561 : memref<1000000x64xf32, #tpu.memory_space<hbm>>) dst(%dma_wait3A_555 : memref<128x64xf32, #tpu.memory_space<vmem>>)
      %dma_start3A_562 = arith.constant 7 : i32
      %dma_start3A_563 = arith.constant 0 : i32
      %dma_start3A_564 = arith.constant 0 : i32
      %dma_start3A_565 = tpu.memref_slice %arg6[%dma_start3A_562, %dma_start3A_563, %dma_start3A_564] : memref<8x128x64xf32, #tpu.memory_space<vmem>> -> memref<1x128x64xf32, #tpu.memory_space<vmem>>
      %dma_start3A_566 = tpu.memref_squeeze %dma_start3A_565 : memref<1x128x64xf32, #tpu.memory_space<vmem>> -> memref<128x64xf32, #tpu.memory_space<vmem>>
      %dma_start3A_567 = arith.constant 0 : i32
      %dma_start3A_568 = arith.constant 0 : i32
      %dma_start3A_569 = tpu.memref_slice %arg4[%add3A, %add3A_550, %dma_start3A_567, %dma_start3A_568] : memref<32x200x128x64xf32, #tpu.memory_space<hbm>> -> memref<1x1x128x64xf32, #tpu.memory_space<hbm>>
      %dma_start3A_570 = tpu.memref_squeeze %dma_start3A_569 : memref<1x1x128x64xf32, #tpu.memory_space<hbm>> -> memref<128x64xf32, #tpu.memory_space<hbm>>
      %dma_start3A_571 = arith.constant 0 : i32
      %dma_start3A_572 = arith.constant 0 : i32
      %dma_start3A_573 = tpu.memref_slice %arg4[%add3A, %add3A_550, %dma_start3A_571, %dma_start3A_572] : memref<32x200x128x64xf32, #tpu.memory_space<hbm>> -> memref<1x1x128x64xf32, #tpu.memory_space<hbm>>
      %dma_start3A_574 = tpu.memref_squeeze %dma_start3A_573 : memref<1x1x128x64xf32, #tpu.memory_space<hbm>> -> memref<128x64xf32, #tpu.memory_space<hbm>>
      %dma_start3A_575 = arith.constant 0 : i32
      %dma_start3A_576 = arith.constant 0 : i32
      %dma_start3A_577 = tpu.memref_slice %arg6[%dma_start3A_562, %dma_start3A_575, %dma_start3A_576] : memref<8x128x64xf32, #tpu.memory_space<vmem>> -> memref<1x128x64xf32, #tpu.memory_space<vmem>>
      %dma_start3A_578 = tpu.memref_squeeze %dma_start3A_577 : memref<1x128x64xf32, #tpu.memory_space<vmem>> -> memref<128x64xf32, #tpu.memory_space<vmem>>
      tpu.enqueue_dma source(%dma_start3A_578 : memref<128x64xf32, #tpu.memory_space<vmem>>) target(%dma_start3A_574 : memref<128x64xf32, #tpu.memory_space<hbm>>) target_semaphore(%arg8 : memref<!tpu.dma_semaphore, #tpu.memory_space<semaphore_mem>>)
      %add3A_579 = arith.constant 8 : i32
      %add3A_580 = arith.addi %add3A_550, %add3A_579 : i32
      %sub3A_581 = arith.constant 4 : i32
      %sub3A_582 = arith.subi %add3A_580, %sub3A_581 : i32
      %ge3A_583 = arith.constant 8 : i32
      %ge3A_584 = arith.cmpi sge, %sub3A_582, %ge3A_583 : i32
      %lt3A_585 = arith.constant 200 : i32
      %lt3A_586 = arith.cmpi slt, %sub3A_582, %lt3A_585 : i32
      %and3A_587 = arith.andi %ge3A_584, %lt3A_586 : i1
      %convert_element_type3A_588 = arith.extui %and3A_587 : i1 to i32
      %cond3A_589 = arith.constant 0 : i32
      %cond3A_590 = arith.cmpi ne, %convert_element_type3A_588, %cond3A_589 : i32
      scf.if %cond3A_590 {
        %sub3A_591 = arith.constant 8 : i32
        %sub3A_592 = arith.subi %sub3A_582, %sub3A_591 : i32
        %dma_wait3A_593 = arith.constant 3 : i32
        %dma_wait3A_594 = arith.constant 0 : i32
        %dma_wait3A_595 = arith.constant 0 : i32
        %dma_wait3A_596 = tpu.memref_slice %arg6[%dma_wait3A_593, %dma_wait3A_594, %dma_wait3A_595] : memref<8x128x64xf32, #tpu.memory_space<vmem>> -> memref<1x128x64xf32, #tpu.memory_space<vmem>>
        %dma_wait3A_597 = tpu.memref_squeeze %dma_wait3A_596 : memref<1x128x64xf32, #tpu.memory_space<vmem>> -> memref<128x64xf32, #tpu.memory_space<vmem>>
        %dma_wait3A_598 = arith.constant 0 : i32
        %dma_wait3A_599 = arith.constant 0 : i32
        %dma_wait3A_600 = tpu.memref_slice %arg4[%add3A, %sub3A_592, %dma_wait3A_598, %dma_wait3A_599] : memref<32x200x128x64xf32, #tpu.memory_space<hbm>> -> memref<1x1x128x64xf32, #tpu.memory_space<hbm>>
        %dma_wait3A_601 = tpu.memref_squeeze %dma_wait3A_600 : memref<1x1x128x64xf32, #tpu.memory_space<hbm>> -> memref<128x64xf32, #tpu.memory_space<hbm>>
        %dma_wait3A_602 = arith.constant 0 : i32
        %dma_wait3A_603 = arith.constant 0 : i32
        %dma_wait3A_604 = tpu.memref_slice %arg4[%add3A, %sub3A_592, %dma_wait3A_602, %dma_wait3A_603] : memref<32x200x128x64xf32, #tpu.memory_space<hbm>> -> memref<1x1x128x64xf32, #tpu.memory_space<hbm>>
        %dma_wait3A_605 = tpu.memref_squeeze %dma_wait3A_604 : memref<1x1x128x64xf32, #tpu.memory_space<hbm>> -> memref<128x64xf32, #tpu.memory_space<hbm>>
        %dma_wait3A_606 = arith.constant 0 : i32
        %dma_wait3A_607 = arith.constant 0 : i32
        %dma_wait3A_608 = tpu.memref_slice %arg6[%dma_wait3A_593, %dma_wait3A_606, %dma_wait3A_607] : memref<8x128x64xf32, #tpu.memory_space<vmem>> -> memref<1x128x64xf32, #tpu.memory_space<vmem>>
        %dma_wait3A_609 = tpu.memref_squeeze %dma_wait3A_608 : memref<1x128x64xf32, #tpu.memory_space<vmem>> -> memref<128x64xf32, #tpu.memory_space<vmem>>
        tpu.wait_dma2 semaphore(%arg8 : memref<!tpu.dma_semaphore, #tpu.memory_space<semaphore_mem>>) src(%dma_wait3A_609 : memref<128x64xf32, #tpu.memory_space<vmem>>) dst(%dma_wait3A_605 : memref<128x64xf32, #tpu.memory_space<hbm>>)
        %dma_start3A_610 = arith.constant 3 : i32
        %dma_start3A_611 = arith.constant 0 : i32
        %dma_start3A_612 = arith.constant 0 : i32
        %dma_start3A_613 = tpu.memref_slice %arg6[%dma_start3A_610, %dma_start3A_611, %dma_start3A_612] : memref<8x128x64xf32, #tpu.memory_space<vmem>> -> memref<1x128x64xf32, #tpu.memory_space<vmem>>
        %dma_start3A_614 = tpu.memref_squeeze %dma_start3A_613 : memref<1x128x64xf32, #tpu.memory_space<vmem>> -> memref<128x64xf32, #tpu.memory_space<vmem>>
        %dma_start3A_615 = arith.constant 0 : i32
        %dma_start3A_616 = tpu.memref_slice %arg5[%sub3A_582, %dma_start3A_615] : memref<200x128xi32, #tpu.memory_space<vmem>> -> memref<1x128xi32, #tpu.memory_space<vmem>>
        %dma_start3A_617 = tpu.memref_squeeze %dma_start3A_616 : memref<1x128xi32, #tpu.memory_space<vmem>> -> memref<128xi32, #tpu.memory_space<vmem>>
        %dma_start3A_618 = arith.constant 0 : i32
        %dma_start3A_619 = arith.constant 0 : i32
        %dma_start3A_620 = tpu.memref_slice %arg2[%dma_start3A_618, %dma_start3A_619] : memref<1000000x64xf32, #tpu.memory_space<hbm>> -> memref<1000000x64xf32, #tpu.memory_space<hbm>>
        tpu.enqueue_indirect_dma source(%dma_start3A_620 : memref<1000000x64xf32, #tpu.memory_space<hbm>>) target(%dma_start3A_614 : memref<128x64xf32, #tpu.memory_space<vmem>>) offsets(%dma_start3A_617 : memref<128xi32, #tpu.memory_space<vmem>>) semaphore(%arg7 : memref<!tpu.dma_semaphore, #tpu.memory_space<semaphore_mem>>)
      } else {
      }
    }
    %scan3A_100 = arith.constant 25 : i32
    %dma_wait3A = arith.constant 0 : i32
    %dma_wait3A_101 = arith.constant 192 : i32
    %dma_wait3A_102 = arith.constant 0 : i32
    %dma_wait3A_103 = arith.constant 0 : i32
    %dma_wait3A_104 = tpu.memref_slice %arg6[%dma_wait3A, %dma_wait3A_102, %dma_wait3A_103] : memref<8x128x64xf32, #tpu.memory_space<vmem>> -> memref<1x128x64xf32, #tpu.memory_space<vmem>>
    %dma_wait3A_105 = tpu.memref_squeeze %dma_wait3A_104 : memref<1x128x64xf32, #tpu.memory_space<vmem>> -> memref<128x64xf32, #tpu.memory_space<vmem>>
    %dma_wait3A_106 = arith.constant 0 : i32
    %dma_wait3A_107 = arith.constant 0 : i32
    %dma_wait3A_108 = tpu.memref_slice %arg4[%add3A, %dma_wait3A_101, %dma_wait3A_106, %dma_wait3A_107] : memref<32x200x128x64xf32, #tpu.memory_space<hbm>> -> memref<1x1x128x64xf32, #tpu.memory_space<hbm>>
    %dma_wait3A_109 = tpu.memref_squeeze %dma_wait3A_108 : memref<1x1x128x64xf32, #tpu.memory_space<hbm>> -> memref<128x64xf32, #tpu.memory_space<hbm>>
    %dma_wait3A_110 = arith.constant 0 : i32
    %dma_wait3A_111 = arith.constant 0 : i32
    %dma_wait3A_112 = tpu.memref_slice %arg4[%add3A, %dma_wait3A_101, %dma_wait3A_110, %dma_wait3A_111] : memref<32x200x128x64xf32, #tpu.memory_space<hbm>> -> memref<1x1x128x64xf32, #tpu.memory_space<hbm>>
    %dma_wait3A_113 = tpu.memref_squeeze %dma_wait3A_112 : memref<1x1x128x64xf32, #tpu.memory_space<hbm>> -> memref<128x64xf32, #tpu.memory_space<hbm>>
    %dma_wait3A_114 = arith.constant 0 : i32
    %dma_wait3A_115 = arith.constant 0 : i32
    %dma_wait3A_116 = tpu.memref_slice %arg6[%dma_wait3A, %dma_wait3A_114, %dma_wait3A_115] : memref<8x128x64xf32, #tpu.memory_space<vmem>> -> memref<1x128x64xf32, #tpu.memory_space<vmem>>
    %dma_wait3A_117 = tpu.memref_squeeze %dma_wait3A_116 : memref<1x128x64xf32, #tpu.memory_space<vmem>> -> memref<128x64xf32, #tpu.memory_space<vmem>>
    tpu.wait_dma2 semaphore(%arg8 : memref<!tpu.dma_semaphore, #tpu.memory_space<semaphore_mem>>) src(%dma_wait3A_117 : memref<128x64xf32, #tpu.memory_space<vmem>>) dst(%dma_wait3A_113 : memref<128x64xf32, #tpu.memory_space<hbm>>)
    %dma_wait3A_118 = arith.constant 1 : i32
    %dma_wait3A_119 = arith.constant 193 : i32
    %dma_wait3A_120 = arith.constant 0 : i32
    %dma_wait3A_121 = arith.constant 0 : i32
    %dma_wait3A_122 = tpu.memref_slice %arg6[%dma_wait3A_118, %dma_wait3A_120, %dma_wait3A_121] : memref<8x128x64xf32, #tpu.memory_space<vmem>> -> memref<1x128x64xf32, #tpu.memory_space<vmem>>
    %dma_wait3A_123 = tpu.memref_squeeze %dma_wait3A_122 : memref<1x128x64xf32, #tpu.memory_space<vmem>> -> memref<128x64xf32, #tpu.memory_space<vmem>>
    %dma_wait3A_124 = arith.constant 0 : i32
    %dma_wait3A_125 = arith.constant 0 : i32
    %dma_wait3A_126 = tpu.memref_slice %arg4[%add3A, %dma_wait3A_119, %dma_wait3A_124, %dma_wait3A_125] : memref<32x200x128x64xf32, #tpu.memory_space<hbm>> -> memref<1x1x128x64xf32, #tpu.memory_space<hbm>>
    %dma_wait3A_127 = tpu.memref_squeeze %dma_wait3A_126 : memref<1x1x128x64xf32, #tpu.memory_space<hbm>> -> memref<128x64xf32, #tpu.memory_space<hbm>>
    %dma_wait3A_128 = arith.constant 0 : i32
    %dma_wait3A_129 = arith.constant 0 : i32
    %dma_wait3A_130 = tpu.memref_slice %arg4[%add3A, %dma_wait3A_119, %dma_wait3A_128, %dma_wait3A_129] : memref<32x200x128x64xf32, #tpu.memory_space<hbm>> -> memref<1x1x128x64xf32, #tpu.memory_space<hbm>>
    %dma_wait3A_131 = tpu.memref_squeeze %dma_wait3A_130 : memref<1x1x128x64xf32, #tpu.memory_space<hbm>> -> memref<128x64xf32, #tpu.memory_space<hbm>>
    %dma_wait3A_132 = arith.constant 0 : i32
    %dma_wait3A_133 = arith.constant 0 : i32
    %dma_wait3A_134 = tpu.memref_slice %arg6[%dma_wait3A_118, %dma_wait3A_132, %dma_wait3A_133] : memref<8x128x64xf32, #tpu.memory_space<vmem>> -> memref<1x128x64xf32, #tpu.memory_space<vmem>>
    %dma_wait3A_135 = tpu.memref_squeeze %dma_wait3A_134 : memref<1x128x64xf32, #tpu.memory_space<vmem>> -> memref<128x64xf32, #tpu.memory_space<vmem>>
    tpu.wait_dma2 semaphore(%arg8 : memref<!tpu.dma_semaphore, #tpu.memory_space<semaphore_mem>>) src(%dma_wait3A_135 : memref<128x64xf32, #tpu.memory_space<vmem>>) dst(%dma_wait3A_131 : memref<128x64xf32, #tpu.memory_space<hbm>>)
    %dma_wait3A_136 = arith.constant 2 : i32
    %dma_wait3A_137 = arith.constant 194 : i32
    %dma_wait3A_138 = arith.constant 0 : i32
    %dma_wait3A_139 = arith.constant 0 : i32
    %dma_wait3A_140 = tpu.memref_slice %arg6[%dma_wait3A_136, %dma_wait3A_138, %dma_wait3A_139] : memref<8x128x64xf32, #tpu.memory_space<vmem>> -> memref<1x128x64xf32, #tpu.memory_space<vmem>>
    %dma_wait3A_141 = tpu.memref_squeeze %dma_wait3A_140 : memref<1x128x64xf32, #tpu.memory_space<vmem>> -> memref<128x64xf32, #tpu.memory_space<vmem>>
    %dma_wait3A_142 = arith.constant 0 : i32
    %dma_wait3A_143 = arith.constant 0 : i32
    %dma_wait3A_144 = tpu.memref_slice %arg4[%add3A, %dma_wait3A_137, %dma_wait3A_142, %dma_wait3A_143] : memref<32x200x128x64xf32, #tpu.memory_space<hbm>> -> memref<1x1x128x64xf32, #tpu.memory_space<hbm>>
    %dma_wait3A_145 = tpu.memref_squeeze %dma_wait3A_144 : memref<1x1x128x64xf32, #tpu.memory_space<hbm>> -> memref<128x64xf32, #tpu.memory_space<hbm>>
    %dma_wait3A_146 = arith.constant 0 : i32
    %dma_wait3A_147 = arith.constant 0 : i32
    %dma_wait3A_148 = tpu.memref_slice %arg4[%add3A, %dma_wait3A_137, %dma_wait3A_146, %dma_wait3A_147] : memref<32x200x128x64xf32, #tpu.memory_space<hbm>> -> memref<1x1x128x64xf32, #tpu.memory_space<hbm>>
    %dma_wait3A_149 = tpu.memref_squeeze %dma_wait3A_148 : memref<1x1x128x64xf32, #tpu.memory_space<hbm>> -> memref<128x64xf32, #tpu.memory_space<hbm>>
    %dma_wait3A_150 = arith.constant 0 : i32
    %dma_wait3A_151 = arith.constant 0 : i32
    %dma_wait3A_152 = tpu.memref_slice %arg6[%dma_wait3A_136, %dma_wait3A_150, %dma_wait3A_151] : memref<8x128x64xf32, #tpu.memory_space<vmem>> -> memref<1x128x64xf32, #tpu.memory_space<vmem>>
    %dma_wait3A_153 = tpu.memref_squeeze %dma_wait3A_152 : memref<1x128x64xf32, #tpu.memory_space<vmem>> -> memref<128x64xf32, #tpu.memory_space<vmem>>
    tpu.wait_dma2 semaphore(%arg8 : memref<!tpu.dma_semaphore, #tpu.memory_space<semaphore_mem>>) src(%dma_wait3A_153 : memref<128x64xf32, #tpu.memory_space<vmem>>) dst(%dma_wait3A_149 : memref<128x64xf32, #tpu.memory_space<hbm>>)
    %dma_wait3A_154 = arith.constant 3 : i32
    %dma_wait3A_155 = arith.constant 195 : i32
    %dma_wait3A_156 = arith.constant 0 : i32
    %dma_wait3A_157 = arith.constant 0 : i32
    %dma_wait3A_158 = tpu.memref_slice %arg6[%dma_wait3A_154, %dma_wait3A_156, %dma_wait3A_157] : memref<8x128x64xf32, #tpu.memory_space<vmem>> -> memref<1x128x64xf32, #tpu.memory_space<vmem>>
    %dma_wait3A_159 = tpu.memref_squeeze %dma_wait3A_158 : memref<1x128x64xf32, #tpu.memory_space<vmem>> -> memref<128x64xf32, #tpu.memory_space<vmem>>
    %dma_wait3A_160 = arith.constant 0 : i32
    %dma_wait3A_161 = arith.constant 0 : i32
    %dma_wait3A_162 = tpu.memref_slice %arg4[%add3A, %dma_wait3A_155, %dma_wait3A_160, %dma_wait3A_161] : memref<32x200x128x64xf32, #tpu.memory_space<hbm>> -> memref<1x1x128x64xf32, #tpu.memory_space<hbm>>
    %dma_wait3A_163 = tpu.memref_squeeze %dma_wait3A_162 : memref<1x1x128x64xf32, #tpu.memory_space<hbm>> -> memref<128x64xf32, #tpu.memory_space<hbm>>
    %dma_wait3A_164 = arith.constant 0 : i32
    %dma_wait3A_165 = arith.constant 0 : i32
    %dma_wait3A_166 = tpu.memref_slice %arg4[%add3A, %dma_wait3A_155, %dma_wait3A_164, %dma_wait3A_165] : memref<32x200x128x64xf32, #tpu.memory_space<hbm>> -> memref<1x1x128x64xf32, #tpu.memory_space<hbm>>
    %dma_wait3A_167 = tpu.memref_squeeze %dma_wait3A_166 : memref<1x1x128x64xf32, #tpu.memory_space<hbm>> -> memref<128x64xf32, #tpu.memory_space<hbm>>
    %dma_wait3A_168 = arith.constant 0 : i32
    %dma_wait3A_169 = arith.constant 0 : i32
    %dma_wait3A_170 = tpu.memref_slice %arg6[%dma_wait3A_154, %dma_wait3A_168, %dma_wait3A_169] : memref<8x128x64xf32, #tpu.memory_space<vmem>> -> memref<1x128x64xf32, #tpu.memory_space<vmem>>
    %dma_wait3A_171 = tpu.memref_squeeze %dma_wait3A_170 : memref<1x128x64xf32, #tpu.memory_space<vmem>> -> memref<128x64xf32, #tpu.memory_space<vmem>>
    tpu.wait_dma2 semaphore(%arg8 : memref<!tpu.dma_semaphore, #tpu.memory_space<semaphore_mem>>) src(%dma_wait3A_171 : memref<128x64xf32, #tpu.memory_space<vmem>>) dst(%dma_wait3A_167 : memref<128x64xf32, #tpu.memory_space<hbm>>)
    %dma_wait3A_172 = arith.constant 4 : i32
    %dma_wait3A_173 = arith.constant 196 : i32
    %dma_wait3A_174 = arith.constant 0 : i32
    %dma_wait3A_175 = arith.constant 0 : i32
    %dma_wait3A_176 = tpu.memref_slice %arg6[%dma_wait3A_172, %dma_wait3A_174, %dma_wait3A_175] : memref<8x128x64xf32, #tpu.memory_space<vmem>> -> memref<1x128x64xf32, #tpu.memory_space<vmem>>
    %dma_wait3A_177 = tpu.memref_squeeze %dma_wait3A_176 : memref<1x128x64xf32, #tpu.memory_space<vmem>> -> memref<128x64xf32, #tpu.memory_space<vmem>>
    %dma_wait3A_178 = arith.constant 0 : i32
    %dma_wait3A_179 = arith.constant 0 : i32
    %dma_wait3A_180 = tpu.memref_slice %arg4[%add3A, %dma_wait3A_173, %dma_wait3A_178, %dma_wait3A_179] : memref<32x200x128x64xf32, #tpu.memory_space<hbm>> -> memref<1x1x128x64xf32, #tpu.memory_space<hbm>>
    %dma_wait3A_181 = tpu.memref_squeeze %dma_wait3A_180 : memref<1x1x128x64xf32, #tpu.memory_space<hbm>> -> memref<128x64xf32, #tpu.memory_space<hbm>>
    %dma_wait3A_182 = arith.constant 0 : i32
    %dma_wait3A_183 = arith.constant 0 : i32
    %dma_wait3A_184 = tpu.memref_slice %arg4[%add3A, %dma_wait3A_173, %dma_wait3A_182, %dma_wait3A_183] : memref<32x200x128x64xf32, #tpu.memory_space<hbm>> -> memref<1x1x128x64xf32, #tpu.memory_space<hbm>>
    %dma_wait3A_185 = tpu.memref_squeeze %dma_wait3A_184 : memref<1x1x128x64xf32, #tpu.memory_space<hbm>> -> memref<128x64xf32, #tpu.memory_space<hbm>>
    %dma_wait3A_186 = arith.constant 0 : i32
    %dma_wait3A_187 = arith.constant 0 : i32
    %dma_wait3A_188 = tpu.memref_slice %arg6[%dma_wait3A_172, %dma_wait3A_186, %dma_wait3A_187] : memref<8x128x64xf32, #tpu.memory_space<vmem>> -> memref<1x128x64xf32, #tpu.memory_space<vmem>>
    %dma_wait3A_189 = tpu.memref_squeeze %dma_wait3A_188 : memref<1x128x64xf32, #tpu.memory_space<vmem>> -> memref<128x64xf32, #tpu.memory_space<vmem>>
    tpu.wait_dma2 semaphore(%arg8 : memref<!tpu.dma_semaphore, #tpu.memory_space<semaphore_mem>>) src(%dma_wait3A_189 : memref<128x64xf32, #tpu.memory_space<vmem>>) dst(%dma_wait3A_185 : memref<128x64xf32, #tpu.memory_space<hbm>>)
    %dma_wait3A_190 = arith.constant 5 : i32
    %dma_wait3A_191 = arith.constant 197 : i32
    %dma_wait3A_192 = arith.constant 0 : i32
    %dma_wait3A_193 = arith.constant 0 : i32
    %dma_wait3A_194 = tpu.memref_slice %arg6[%dma_wait3A_190, %dma_wait3A_192, %dma_wait3A_193] : memref<8x128x64xf32, #tpu.memory_space<vmem>> -> memref<1x128x64xf32, #tpu.memory_space<vmem>>
    %dma_wait3A_195 = tpu.memref_squeeze %dma_wait3A_194 : memref<1x128x64xf32, #tpu.memory_space<vmem>> -> memref<128x64xf32, #tpu.memory_space<vmem>>
    %dma_wait3A_196 = arith.constant 0 : i32
    %dma_wait3A_197 = arith.constant 0 : i32
    %dma_wait3A_198 = tpu.memref_slice %arg4[%add3A, %dma_wait3A_191, %dma_wait3A_196, %dma_wait3A_197] : memref<32x200x128x64xf32, #tpu.memory_space<hbm>> -> memref<1x1x128x64xf32, #tpu.memory_space<hbm>>
    %dma_wait3A_199 = tpu.memref_squeeze %dma_wait3A_198 : memref<1x1x128x64xf32, #tpu.memory_space<hbm>> -> memref<128x64xf32, #tpu.memory_space<hbm>>
    %dma_wait3A_200 = arith.constant 0 : i32
    %dma_wait3A_201 = arith.constant 0 : i32
    %dma_wait3A_202 = tpu.memref_slice %arg4[%add3A, %dma_wait3A_191, %dma_wait3A_200, %dma_wait3A_201] : memref<32x200x128x64xf32, #tpu.memory_space<hbm>> -> memref<1x1x128x64xf32, #tpu.memory_space<hbm>>
    %dma_wait3A_203 = tpu.memref_squeeze %dma_wait3A_202 : memref<1x1x128x64xf32, #tpu.memory_space<hbm>> -> memref<128x64xf32, #tpu.memory_space<hbm>>
    %dma_wait3A_204 = arith.constant 0 : i32
    %dma_wait3A_205 = arith.constant 0 : i32
    %dma_wait3A_206 = tpu.memref_slice %arg6[%dma_wait3A_190, %dma_wait3A_204, %dma_wait3A_205] : memref<8x128x64xf32, #tpu.memory_space<vmem>> -> memref<1x128x64xf32, #tpu.memory_space<vmem>>
    %dma_wait3A_207 = tpu.memref_squeeze %dma_wait3A_206 : memref<1x128x64xf32, #tpu.memory_space<vmem>> -> memref<128x64xf32, #tpu.memory_space<vmem>>
    tpu.wait_dma2 semaphore(%arg8 : memref<!tpu.dma_semaphore, #tpu.memory_space<semaphore_mem>>) src(%dma_wait3A_207 : memref<128x64xf32, #tpu.memory_space<vmem>>) dst(%dma_wait3A_203 : memref<128x64xf32, #tpu.memory_space<hbm>>)
    %dma_wait3A_208 = arith.constant 6 : i32
    %dma_wait3A_209 = arith.constant 198 : i32
    %dma_wait3A_210 = arith.constant 0 : i32
    %dma_wait3A_211 = arith.constant 0 : i32
    %dma_wait3A_212 = tpu.memref_slice %arg6[%dma_wait3A_208, %dma_wait3A_210, %dma_wait3A_211] : memref<8x128x64xf32, #tpu.memory_space<vmem>> -> memref<1x128x64xf32, #tpu.memory_space<vmem>>
    %dma_wait3A_213 = tpu.memref_squeeze %dma_wait3A_212 : memref<1x128x64xf32, #tpu.memory_space<vmem>> -> memref<128x64xf32, #tpu.memory_space<vmem>>
    %dma_wait3A_214 = arith.constant 0 : i32
    %dma_wait3A_215 = arith.constant 0 : i32
    %dma_wait3A_216 = tpu.memref_slice %arg4[%add3A, %dma_wait3A_209, %dma_wait3A_214, %dma_wait3A_215] : memref<32x200x128x64xf32, #tpu.memory_space<hbm>> -> memref<1x1x128x64xf32, #tpu.memory_space<hbm>>
    %dma_wait3A_217 = tpu.memref_squeeze %dma_wait3A_216 : memref<1x1x128x64xf32, #tpu.memory_space<hbm>> -> memref<128x64xf32, #tpu.memory_space<hbm>>
    %dma_wait3A_218 = arith.constant 0 : i32
    %dma_wait3A_219 = arith.constant 0 : i32
    %dma_wait3A_220 = tpu.memref_slice %arg4[%add3A, %dma_wait3A_209, %dma_wait3A_218, %dma_wait3A_219] : memref<32x200x128x64xf32, #tpu.memory_space<hbm>> -> memref<1x1x128x64xf32, #tpu.memory_space<hbm>>
    %dma_wait3A_221 = tpu.memref_squeeze %dma_wait3A_220 : memref<1x1x128x64xf32, #tpu.memory_space<hbm>> -> memref<128x64xf32, #tpu.memory_space<hbm>>
    %dma_wait3A_222 = arith.constant 0 : i32
    %dma_wait3A_223 = arith.constant 0 : i32
    %dma_wait3A_224 = tpu.memref_slice %arg6[%dma_wait3A_208, %dma_wait3A_222, %dma_wait3A_223] : memref<8x128x64xf32, #tpu.memory_space<vmem>> -> memref<1x128x64xf32, #tpu.memory_space<vmem>>
    %dma_wait3A_225 = tpu.memref_squeeze %dma_wait3A_224 : memref<1x128x64xf32, #tpu.memory_space<vmem>> -> memref<128x64xf32, #tpu.memory_space<vmem>>
    tpu.wait_dma2 semaphore(%arg8 : memref<!tpu.dma_semaphore, #tpu.memory_space<semaphore_mem>>) src(%dma_wait3A_225 : memref<128x64xf32, #tpu.memory_space<vmem>>) dst(%dma_wait3A_221 : memref<128x64xf32, #tpu.memory_space<hbm>>)
    %dma_wait3A_226 = arith.constant 7 : i32
    %dma_wait3A_227 = arith.constant 199 : i32
    %dma_wait3A_228 = arith.constant 0 : i32
    %dma_wait3A_229 = arith.constant 0 : i32
    %dma_wait3A_230 = tpu.memref_slice %arg6[%dma_wait3A_226, %dma_wait3A_228, %dma_wait3A_229] : memref<8x128x64xf32, #tpu.memory_space<vmem>> -> memref<1x128x64xf32, #tpu.memory_space<vmem>>
    %dma_wait3A_231 = tpu.memref_squeeze %dma_wait3A_230 : memref<1x128x64xf32, #tpu.memory_space<vmem>> -> memref<128x64xf32, #tpu.memory_space<vmem>>
    %dma_wait3A_232 = arith.constant 0 : i32
    %dma_wait3A_233 = arith.constant 0 : i32
    %dma_wait3A_234 = tpu.memref_slice %arg4[%add3A, %dma_wait3A_227, %dma_wait3A_232, %dma_wait3A_233] : memref<32x200x128x64xf32, #tpu.memory_space<hbm>> -> memref<1x1x128x64xf32, #tpu.memory_space<hbm>>
    %dma_wait3A_235 = tpu.memref_squeeze %dma_wait3A_234 : memref<1x1x128x64xf32, #tpu.memory_space<hbm>> -> memref<128x64xf32, #tpu.memory_space<hbm>>
    %dma_wait3A_236 = arith.constant 0 : i32
    %dma_wait3A_237 = arith.constant 0 : i32
    %dma_wait3A_238 = tpu.memref_slice %arg4[%add3A, %dma_wait3A_227, %dma_wait3A_236, %dma_wait3A_237] : memref<32x200x128x64xf32, #tpu.memory_space<hbm>> -> memref<1x1x128x64xf32, #tpu.memory_space<hbm>>
    %dma_wait3A_239 = tpu.memref_squeeze %dma_wait3A_238 : memref<1x1x128x64xf32, #tpu.memory_space<hbm>> -> memref<128x64xf32, #tpu.memory_space<hbm>>
    %dma_wait3A_240 = arith.constant 0 : i32
    %dma_wait3A_241 = arith.constant 0 : i32
    %dma_wait3A_242 = tpu.memref_slice %arg6[%dma_wait3A_226, %dma_wait3A_240, %dma_wait3A_241] : memref<8x128x64xf32, #tpu.memory_space<vmem>> -> memref<1x128x64xf32, #tpu.memory_space<vmem>>
    %dma_wait3A_243 = tpu.memref_squeeze %dma_wait3A_242 : memref<1x128x64xf32, #tpu.memory_space<vmem>> -> memref<128x64xf32, #tpu.memory_space<vmem>>
    tpu.wait_dma2 semaphore(%arg8 : memref<!tpu.dma_semaphore, #tpu.memory_space<semaphore_mem>>) src(%dma_wait3A_243 : memref<128x64xf32, #tpu.memory_space<vmem>>) dst(%dma_wait3A_239 : memref<128x64xf32, #tpu.memory_space<hbm>>)
    return
  }
}

</mosaic_0001>

<sc_bundles>
// kernel: _emb_lookup.3.cloned.1.call-start
scs
__scs_entry_jumppad:
0x0: {  	(pc) =	sbr.rel $0x88, $3  }
0x1: {  	(tag) =	ssettag $0x0;
	lr =	simm.s32 $0x1  }
0x2: {  	[smem:$0x3F9F] =	sst lr;
	_ =	strace $0xD0000000  }
0x3: {  	_ = 	snop  }
0x4: {  	_ = 	snop  }
0x5: {  	_ = 	snop  }
0x6: {  	_ = 	snop  }
0x7: {  	_ = 	snop  }
__scs_overlays_trampoline_lowered:
0x8: {  	[smem:$0x3FAE] =	sst s0  }
0x9: {  	[smem:$0x3FAF] =	sst s1  }
0xa: {  	[smem:$0x3FB0] =	sst s2  }
0xb: {  	[smem:$0x3FB1] =	sst s3  }
0xc: {  	[smem:$0x3FB2] =	sst s4  }
0xd: {  	[smem:$0x3FB3] =	sst s5  }
0xe: {  	[smem:$0x3FB4] =	sst s6  }
0xf: {  	[smem:$0x3FB5] =	sst s7  }
0x10: {  	[smem:$0x3FB6] =	sst s8  }
0x11: {  	[smem:$0x3FB7] =	sst s9;
	s0 =	simm.s32 @!p0 $0x0  }
0x12: {  	s1 =	sld [smem:$0x3F9D];
	s0 =	simm.s32 @p0 $0x1  }
0x13: {  	[smem:$0x3FB8] =	sst s0;
	s0 =	simm.s32 @!p1 $0x0  }
0x14: {  	s2 =	sld [smem:$0x3F9C];
	s0 =	simm.s32 @p1 $0x1  }
0x15: {  	[smem:$0x3FB9] =	sst s0;
	s0 =	simm.s32 @!p2 $0x0  }
0x16: {  	s3 =	sld [smem:$0x3FDB];
	s0 =	simm.s32 @p2 $0x1  }
0x17: {  	s4 =	simm.s32 $0x1BF5;
	[smem:$0x3FBB] =	sst s0  }
0x18: {  	s0 =	sld [smem:$0x3F9E];
	_ =	swait.ge [sflag:s4], $0x0  }
0x19: {  	s7 =	sld [smem:$0x3F9F]  }
0x1a: {  	s8 =	sadd.s32 $0xFFFFE003, lr  }
0x1b: {  	s9 =	sadd.s32 $0xFFFFFEF7, lr;
	s5 =	simm.s32 $0xFFFFFFFF;
	p2 =	slt.u32 s8, $0xFFFFF086  }
0x1c: {  	p1 =	slt.u32 s9, $0xF7A;
	s5 =	simm.s32 @!p2 $0x0  }
0x1d: {  	s5 =	simm.s32 @p1 $0x1;
	p0 =	seq.s32 s7, s2  }
0x1e: {  	s7 =	smul.u32 @!p0 $0xF7A, s2;
	p2 =	seq.s32 @!p0 s5, $0x0  }
0x1f: {  	s9 =	smul.u32 $0xF7A, s1;
	s8 =	simm.s32 @!p0 $0x1BF5;
	p2 =	por !p2, p0  }
0x20: {  	[sflag:s8] =	ssyncset.s32 @!p0 $0xFFFFF086;
	s6 =	sadd.s32 @!p0 s3, s7;
	s7 =	simm.s32 @!p0 $0x108  }
0x21: {  	s3 =	sadd.s32 s3, s9;
	s6 =	sadd.s32 @!p0 $0x88, s6;
	s7 =	simm.s32 @p2 $0x1082  }
0x22: {  	[simem:s7], [sflag:s8] =	dma.local @!p0 [hbm:s6], $0xF7A  }
0x23: {  	s9 =	sor.u32 $0xD0000000, s2;
	s6 =	simm.s32 $0x108;
	_ =	swait.ge @!p0 [sflag:s8], $0x0  }
0x24: {  	s3 =	sadd.s32 $0x88, s3;
	s6 =	simm.s32 @!p1 $0x1082;
	[sflag:s4] =	ssyncset.s32 $0xFFFFF086  }
0x25: {  	[simem:s6], [sflag:s4] =	dma.local [hbm:s3], $0xF7A  }
0x26: {  	[smem:$0x3F9F] =	sst s1;
	(tag) =	ssettag s2;
	_ =	strace s9  }
0x27: {  	s1 =	sld [smem:$0x3FAF]  }
0x28: {  	s2 =	sld [smem:$0x3FB0]  }
0x29: {  	s4 =	sld [smem:$0x3FB2]  }
0x2a: {  	p0 =	seq.s32 s5, $0x0;
	s5 =	sld [smem:$0x3FB3]  }
0x2b: {  	s6 =	sld [smem:$0x3FB4]  }
0x2c: {  	s7 =	sld [smem:$0x3FB5]  }
0x2d: {  	s3 =	simm.s32 $0x108;
	s8 =	sld [smem:$0x3FB6]  }
0x2e: {  	s3 =	simm.s32 @!p0 $0x1082;
	s9 =	sld [smem:$0x3FB7]  }
0x2f: {  	lr =	sadd.s32 s0, s3;
	s0 =	sld [smem:$0x3FAE]  }
0x30: {  	s3 =	sld [smem:$0x3FB1]  }
0x31: {  	[smem:$0x3FBA] =	sst s10  }
0x32: {  	s10 =	sld [smem:$0x3FB8];
	_ =	sdelay $0x3  }
0x33: {  	p0 =	seq.s32 s10, $0x1;
	s10 =	sld [smem:$0x3FBA];
	_ =	sdelay $0x3  }
0x34: {  	[smem:$0x3FBA] =	sst s10  }
0x35: {  	s10 =	sld [smem:$0x3FB9];
	_ =	sdelay $0x3  }
0x36: {  	p1 =	seq.s32 s10, $0x1;
	s10 =	sld [smem:$0x3FBA];
	_ =	sdelay $0x3  }
0x37: {  	[smem:$0x3FBA] =	sst s10  }
0x38: {  	s10 =	sld [smem:$0x3FBB]  }
0x39: {  	_ = 	snop;
	(pc) =	sbr.ind lr, $3  }
0x3a: {  	_ = 	snop  }
0x3b: {  	_ = 	snop  }
0x3c: {  	p2 =	seq.s32 s10, $0x1;
	s10 =	sld [smem:$0x3FBA]  }
0x3d: {  	_ =	shalt  }
0x3e: {  	_ =	shalt  }
0x3f: {  	_ =	shalt  }
0x40: {  	_ =	shalt  }
0x41: {  	_ =	shalt  }
0x42: {  	_ =	shalt  }
0x43: {  	_ =	shalt  }
0x44: {  	_ =	shalt  }
0x45: {  	_ =	shalt  }
0x46: {  	_ =	shalt  }
0x47: {  	_ =	shalt  }
0x48: {  	_ =	shalt  }
0x49: {  	_ =	shalt  }
0x4a: {  	_ =	shalt  }
0x4b: {  	_ =	shalt  }
0x4c: {  	_ =	shalt  }
0x4d: {  	_ =	shalt  }
0x4e: {  	_ =	shalt  }
0x4f: {  	_ =	shalt  }
0x50: {  	_ =	shalt  }
0x51: {  	_ =	shalt  }
0x52: {  	_ =	shalt  }
0x53: {  	_ =	shalt  }
0x54: {  	_ =	shalt  }
0x55: {  	_ =	shalt  }
0x56: {  	_ =	shalt  }
0x57: {  	_ =	shalt  }
0x58: {  	_ =	shalt  }
0x59: {  	_ =	shalt  }
0x5a: {  	_ =	shalt  }
0x5b: {  	_ =	shalt  }
0x5c: {  	_ =	shalt  }
0x5d: {  	_ =	shalt  }
0x5e: {  	_ =	shalt  }
0x5f: {  	_ =	shalt  }
0x60: {  	_ =	shalt  }
0x61: {  	_ =	shalt  }
0x62: {  	_ =	shalt  }
0x63: {  	_ =	shalt  }
0x64: {  	_ =	shalt  }
0x65: {  	_ =	shalt  }
0x66: {  	_ =	shalt  }
0x67: {  	_ =	shalt  }
0x68: {  	_ =	shalt  }
0x69: {  	_ =	shalt  }
0x6a: {  	_ =	shalt  }
0x6b: {  	_ =	shalt  }
0x6c: {  	_ =	shalt  }
0x6d: {  	_ =	shalt  }
0x6e: {  	_ =	shalt  }
0x6f: {  	_ =	shalt  }
0x70: {  	_ =	shalt  }
0x71: {  	_ =	shalt  }
0x72: {  	_ =	shalt  }
0x73: {  	_ =	shalt  }
0x74: {  	_ =	shalt  }
0x75: {  	_ =	shalt  }
0x76: {  	_ =	shalt  }
0x77: {  	_ =	shalt  }
0x78: {  	_ =	shalt  }
0x79: {  	_ =	shalt  }
0x7a: {  	_ =	shalt  }
0x7b: {  	_ =	shalt  }
0x7c: {  	_ =	shalt  }
0x7d: {  	_ =	shalt  }
0x7e: {  	_ =	shalt  }
0x7f: {  	_ =	shalt  }
0x80: {  	_ =	shalt  }
0x81: {  	_ =	shalt  }
0x82: {  	_ =	shalt  }
0x83: {  	_ =	shalt  }
0x84: {  	_ =	shalt  }
0x85: {  	_ =	shalt  }
0x86: {  	_ =	shalt  }
0x87: {  	_ =	shalt  }
.Lfunc_end0:
.L_simem_size_0:
called_computation.1_lowered:
.L_overlay_start_0:
0x88: {  	s2 =	sld [smem:$0x3FD9]  }
0x89: {  	s3 =	sld [smem:$0x3FFE];
	_ =	sdelay $0x1  }
0x8a: {  	s1 =	srdreg.scid  }
0x8b: {  	s0 =	sand.u32 $0x1, s1  }
0x8c: {  	s17 =	sshll.u32 s0, $0xA;
	s2 =	sadd.s32 s3, s2  }
0x8d: {  	s2 =	sadd.s32 s2, s17  }
0x8e: {  	[smem:$0x3FC6] =	sst s2  }
0x8f: {  	_ = 	snop  }
0x90: {  	s2 =	sld [smem:$0x3FC8]  }
0x91: {  	s18 =	sld [smem:$0x3FD0];
	(tm) =	ssettm $0x1  }
0x92: {  	s4 =	sld [smem:$0x3FFB];
	_ =	sdelay $0x3  }
0x93: {  	_ =	strace s4  }
0x94: {  	s4 =	sld [smem:$0x3FFC];
	_ =	sdelay $0x3  }
0x95: {  	_ =	strace s4  }
0x96: {  	s4 =	sld [smem:$0x3FFD];
	_ =	sdelay $0x3  }
0x97: {  	_ =	strace s4  }
0x98: {  	_ =	strace $0x8FFFFFFF  }
0x99: {  	s19 =	sld [smem:$0x3FDB];
	_ =	sdelay $0x1  }
0x9a: {  	s5 =	simm.s32 $_scs_section_size  }
0x9b: {  	s6 =	simm.s32 $_size__tile_overlayer_lowered;
	s7 =	simm.s32 $_tile_overlayer_lowered  }
0x9c: {  	s22 =	simm.s32 $0x1BFF;
	s21 =	sshll.u32 s7, $0x1;
	s4 =	sadd.s32 s5, s19  }
0x9d: {  	s8 =	simm.s32 $0x0;
	s20 =	sshll.u32 s6, $0x1;
	s6 =	sadd.s32 s21, s4  }
0x9e: {  	[timem:s8], [sflag:s22] =	dma.local [hbm:s6], s20  }
0x9f: {  	_ =	swait.ge [sflag:s22], s20  }
0xa0: {  	s5 =	ssub.s32 $0x0, s20;
	[sflag:s22] =	ssyncset.done $0x0  }
0xa1: {  	[sflag:s22] =	ssyncadd.s32 s5;
	_ =	sdelay $0x1  }
0xa2: {  	s23 =	simm.s32 $0x1B8B  }
0xa3: {  	_ =	swait.ge [sflag:s23], $0x1  }
0xa4: {  	[sflag:s23] =	ssyncset.done $0x0  }
0xa5: {  	s25 =	simm.s32 $0x1B8E;
	s24 =	sld [smem:$0x3FFE];
	[sflag:s23] =	ssyncadd.s32 $0xFFFFFFFF  }
0xa6: {  	s26 =	simm.s32 $execute0_lowered;
	[smem:$0x3FD2] =	sst s25  }
0xa7: {  	s6 =	sshll.u32 s26, $0x1;
	_ =	strace $0x80000046;
	[dreg:$0x1] =	wrdreg $0xFFFFFFFF  }
0xa8: {  	s28 =	simm.s32 $_size_execute0_lowered;
	s4 =	sadd.s32 s4, s6;
	[dreg:$0x0] =	wrdreg $0x0  }
0xa9: {  	s6 =	sshll.u32 s28, $0x1;
	[dreg:$0x2] =	wrdreg s4  }
0xaa: {  	[dreg:$0x3] =	wrdreg s6  }
0xab: {  	[dreg:$0x4] =	wrdreg $0xC0  }
0xac: {  	_ =	task [dreg:s8], $0x5FFFF  }
0xad: {  	[dreg:$0x1] =	wrdreg $0xFFFFFFFF  }
0xae: {  	[dreg:$0x0] =	wrdreg $0x60  }
0xaf: {  	[dreg:$0x2] =	wrdreg s24  }
0xb0: {  	[dreg:$0x3] =	wrdreg s2  }
0xb1: {  	[dreg:$0x4] =	wrdreg s18  }
0xb2: {  	[dreg:$0x5] =	wrdreg $0x9  }
0xb3: {  	_ =	task.clear_ibuf [dreg:s8], $0x6FFFF;
	_ =	strace $0x90000046  }
0xb4: {  	s29 =	simm.s32 $0x9;
	_ =	strace $0x80000048  }
0xb5: {  	_ =	swait.ge [sflag:s29], $0x1  }
0xb6: {  	[sflag:s29] =	ssyncadd.s32 $0xFFFFFFFF  }
0xb7: {  	_ =	strace $0x90000048  }
0xb8: {  	_ =	sfence  }
0xb9: {  	s30 =	sld [smem:$0x0];
	_ =	sdelay $0x2  }
0xba: {  	s31 =	sshll.u32 s1, $0xD;
	s1 =	sshrl.u32 s1, $0x2  }
0xbb: {  	s3 =	sand.u32 $0x4000, s31;
	s1 =	sadd.s32 s1, s30  }
0xbc: {  	s0 =	sor.u32 s3, s0;
	s1 =	sshll.u32 s1, $0x11  }
0xbd: {  	s0 =	sor.u32 s1, s0  }
0xbe: {  	s0 =	sadd.s32 $0x8F2B, s0  }
0xbf: {  	[sflag:s0] =	ssyncadd.remote.s32 $0x1  }
0xc0: {  	_ =	sfence.sel $0xFFFF  }
0xc1: {  	[dreg:$0x0] =	wrdreg $0xFFFFFFFF;
	(pc) =	sbr.abs _section_cstart, $3  }
0xc2: {  	[dreg:$0x1] =	wrdreg $0xFFFFFFFF  }
0xc3: {  	_ =	task.clear_ibuf [dreg:s8], $0x2FFFF;
	_ =	strace $0x9FFFFFFF  }
0xc4: {  	(tm) =	ssettm $0x7FFFFFFF  }
0xc5: {  	_ =	shalt  }
tec
execute0_lowered:
.L_overlay_start_1:
0x0: {  	(tag) =	ssettag $0x1  }
0x1: {  	s0 =	rddreg [dreg:$0x0]  }
0x2: {  	s1 =	rddreg [dreg:$0x1];
	s3 =	simm.s32 $0x0  }
0x3: {  	s2 =	srdreg.scid;
	s5 =	stileid.u32;
	s15 =	simm.s32 $0x3  }
0x4: {  	s16 =	simm.s32 $0x80;
	s17 =	simm.s32 $0x6400;
	s18 =	simm.s32 $0x8400  }
0x5: {  	s20 =	simm.s32 $0xA400;
	s29 =	simm.s32 $0x12400;
	s31 =	simm.s32 $0x14400  }
0x6: {  	s2 =	sand.u32 $0x1, s2;
	s4 =	sshll.u32 s5, $0x1;
	s5 =	smul.u32 $0x320000, s5  }
0x7: {  	s6 =	ssub.s32 $0x2, s2;
	s4 =	sor.u32 s2, s4;
	s2 =	smul.u32 $0x190000, s2  }
0x8: {  	[smem:$0x7FF] =	sst s3;
	s7 =	sshrl.u32 s6, $0x1;
	s8 =	smul.u32 $0xC80, s4  }
0x9: {  	_ =	strace $0x80000047;
	s4 =	sadd.s32 $0xF42C00, s0;
	s21 =	ssub.s32 s6, s7  }
0xa: {  	s2 =	sadd.s32 s2, s5;
	s1 =	sadd.s32 s1, s8;
	s0 =	smax.u32 s21, $0x1  }
0xb: {  	s22 =	sor.u32 $0x6000, s2;
	s23 =	sor.u32 $0x4000, s2;
	s24 =	sor.u32 $0x2000, s2  }
0xc: {  	s25 =	sor.u32 $0xE000, s2;
	s10 =	sshrl.u32 s2, $0x3;
	s26 =	sor.u32 $0xC000, s2  }
0xd: {  	s28 =	sor.u32 $0xA000, s2;
	s30 =	sor.u32 $0x8000, s2;
	[dreg:$0x4] =	wrdreg s1  }
.Ltmp0:
0xe: {  	s2 =	simm.s32 $0x2;
	[dreg:$0x5] =	wrdreg s0;
	(pc) =	sbr.rel .LBB2_1-.Ltmp0, $4  }
0xf: {  	s7 =	sshrl.u32 s22, $0x3;
	s8 =	sshrl.u32 s23, $0x3;
	s9 =	sshrl.u32 s24, $0x3  }
0x10: {  	s11 =	sshrl.u32 s25, $0x3;
	s12 =	sshrl.u32 s26, $0x3;
	s13 =	sshrl.u32 s28, $0x3  }
0x11: {  	s14 =	sshrl.u32 s30, $0x3;
	s22 =	simm.s32 $0xC400;
	s24 =	simm.s32 $0xE400  }
0x12: {  	s26 =	simm.s32 $0x10400;
	s0 =	simm.s32 $0x1;
	s1 =	simm.s32 $0x0  }
.LBB2_4:
0x13: {  	_ =	swait.ge [sflag:s2], $0x2000  }
0x14: {  	[sflag:s2] =	ssyncset.done $0x0  }
0x15: {  	[sflag:s2] =	ssyncadd.s32 $0xFFFFE000  }
0x16: {  	_ =	swait.ge [sflag:s2], $0x2000  }
0x17: {  	[sflag:s2] =	ssyncset.done $0x0  }
0x18: {  	[sflag:s2] =	ssyncadd.s32 $0xFFFFE000  }
0x19: {  	_ =	swait.ge [sflag:s2], $0x2000  }
0x1a: {  	[sflag:s2] =	ssyncset.done $0x0  }
0x1b: {  	[sflag:s2] =	ssyncadd.s32 $0xFFFFE000  }
0x1c: {  	_ =	swait.ge [sflag:s2], $0x2000  }
0x1d: {  	[sflag:s2] =	ssyncset.done $0x0  }
0x1e: {  	[sflag:s2] =	ssyncadd.s32 $0xFFFFE000  }
0x1f: {  	_ =	swait.ge [sflag:s2], $0x2000  }
0x20: {  	[sflag:s2] =	ssyncset.done $0x0  }
0x21: {  	[sflag:s2] =	ssyncadd.s32 $0xFFFFE000  }
0x22: {  	_ =	swait.ge [sflag:s2], $0x2000  }
0x23: {  	[sflag:s2] =	ssyncset.done $0x0  }
0x24: {  	[sflag:s2] =	ssyncadd.s32 $0xFFFFE000  }
0x25: {  	_ =	swait.ge [sflag:s2], $0x2000  }
0x26: {  	s1 =	sadd.s32 $0x1, s1;
	s5 =	rddreg [dreg:$0x5]  }
0x27: {  	p0 =	sne.s32 s1, s5  }
.Ltmp1:
0x28: {  	_ = 	snop;
	(pc) =	sbr.rel @!p0 .LBB2_5-.Ltmp1, $3  }
0x29: {  	_ =	sdelay $0x1  }
0x2a: {  	[sflag:s2] =	ssyncset.done $0x0  }
0x2b: {  	[sflag:s2] =	ssyncadd.s32 $0xFFFFE000  }
.LBB2_1:
0x2c: {  	s5 =	rddreg [dreg:$0x4]  }
0x2d: {  	[tilespmem:s3], [sflag:$0x3] =	stream.linear.gather [hbm4b:s5+s3], $0x6400, $0x38;
	[tilespmem:$0x16400] =	vst v63  }
0x2e: {  	_ =	swait.ge [sflag:s15], $0x6400  }
0x2f: {  	[sflag:s15] =	ssyncset.done $0x0  }
0x30: {  	[sflag:s15] =	ssyncadd.s32 $0xFFFF9C00  }
0x31: {  	[tilespmem:s17], [sflag:$0x1] =	stream.indirect.gather [hbm4b:s4+s16], $0x40, s3, s16, $0xb8;
	[tilespmem:$0x16400] =	vst v63  }
0x32: {  	_ = 	snop  }
0x33: {  	[tilespmem:s18], [sflag:$0x1] =	stream.indirect.gather [hbm4b:s4+s16], $0x40, s16, s16, $0xb8;
	[tilespmem:$0x16400] =	vst v63  }
0x34: {  	s19 =	simm.s32 $0x100  }
0x35: {  	[tilespmem:s20], [sflag:$0x1] =	stream.indirect.gather [hbm4b:s4+s16], $0x40, s19, s16, $0xb8;
	[tilespmem:$0x16400] =	vst v63  }
0x36: {  	s21 =	simm.s32 $0x180  }
0x37: {  	[tilespmem:s22], [sflag:$0x1] =	stream.indirect.gather [hbm4b:s4+s16], $0x40, s21, s16, $0xb8;
	[tilespmem:$0x16400] =	vst v63  }
0x38: {  	s23 =	simm.s32 $0x200  }
0x39: {  	[tilespmem:s24], [sflag:$0x1] =	stream.indirect.gather [hbm4b:s4+s16], $0x40, s23, s16, $0xb8;
	[tilespmem:$0x16400] =	vst v63  }
0x3a: {  	s25 =	simm.s32 $0x280  }
0x3b: {  	[tilespmem:s26], [sflag:$0x1] =	stream.indirect.gather [hbm4b:s4+s16], $0x40, s25, s16, $0xb8;
	[tilespmem:$0x16400] =	vst v63  }
0x3c: {  	s28 =	simm.s32 $0x300;
	s30 =	simm.s32 $0x380  }
0x3d: {  	[tilespmem:s29], [sflag:$0x1] =	stream.indirect.gather [hbm4b:s4+s16], $0x40, s28, s16, $0xb8;
	[tilespmem:$0x16400] =	vst v63  }
0x3e: {  	s19 =	simm.s32 $0xFFFFFFF8;
	s21 =	rddreg [dreg:$0x2];
	s23 =	simm.s32 $0x0  }
0x3f: {  	[tilespmem:s31], [sflag:$0x1] =	stream.indirect.gather [hbm4b:s4+s16], $0x40, s30, s16, $0xb8;
	[tilespmem:$0x16400] =	vst v63  }
.LBB2_2:
0x40: {  	_ =	swait.ge [sflag:s0], $0x2000  }
0x41: {  	[sflag:s0] =	ssyncset.done $0x0  }
0x42: {  	s25 =	sadd.s32 s21, s10;
	p0 =	sgt.u32 s19, $0xBF;
	[sflag:s0] =	ssyncadd.s32 $0xFFFFE000  }
0x43: {  	[hbm4b:s25+s3] =	stream.linear.scatter [tilespmem:s17], [sflag:$0x2], $0x2000, $0x38;
	[tilespmem:$0x16400] =	vst v63  }
0x44: {  	s25 =	simm.s32 @!p0 $0x2  }
0x45: {  	_ =	swait.ge @!p0 [sflag:s25], $0x2000  }
0x46: {  	s28 =	sshra.s32 @!p0 s23, $0x2;
	s5 =	simm.s32 @!p0 $0x80;
	[sflag:s25] =	ssyncset.done @!p0 $0x0  }
0x47: {  	s6 =	simm.s32 @!p0 $0xE400;
	s30 =	sadd.s32 @!p0 $0x200, s28;
	[sflag:s25] =	ssyncadd.s32 @!p0 $0xFFFFE000  }
0x48: {  	[tilespmem:s6], [sflag:$0x1] =	stream.indirect.gather @!p0 [hbm4b:s4+s5], $0x40, s30, s5, $0xb8;
	[tilespmem:$0x16400] =	vst v63  }
0x49: {  	_ =	swait.ge [sflag:s0], $0x2000  }
0x4a: {  	[sflag:s0] =	ssyncset.done $0x0  }
0x4b: {  	s30 =	sadd.s32 s21, s9;
	[sflag:s0] =	ssyncadd.s32 $0xFFFFE000  }
0x4c: {  	[hbm4b:s30+s3] =	stream.linear.scatter [tilespmem:s18], [sflag:$0x2], $0x2000, $0x38;
	[tilespmem:$0x16400] =	vst v63  }
0x4d: {  	_ =	swait.ge @!p0 [sflag:s25], $0x2000  }
0x4e: {  	[sflag:s25] =	ssyncset.done @!p0 $0x0  }
0x4f: {  	s6 =	sadd.s32 @!p0 $0x280, s28;
	s30 =	simm.s32 @!p0 $0x10400;
	[sflag:s25] =	ssyncadd.s32 @!p0 $0xFFFFE000  }
0x50: {  	[tilespmem:s30], [sflag:$0x1] =	stream.indirect.gather @!p0 [hbm4b:s4+s5], $0x40, s6, s5, $0xb8;
	[tilespmem:$0x16400] =	vst v63  }
0x51: {  	_ =	swait.ge [sflag:s0], $0x2000  }
0x52: {  	[sflag:s0] =	ssyncset.done $0x0  }
0x53: {  	s30 =	sadd.s32 s21, s8;
	[sflag:s0] =	ssyncadd.s32 $0xFFFFE000  }
0x54: {  	[hbm4b:s30+s3] =	stream.linear.scatter [tilespmem:s20], [sflag:$0x2], $0x2000, $0x38;
	[tilespmem:$0x16400] =	vst v63  }
0x55: {  	_ =	swait.ge @!p0 [sflag:s25], $0x2000  }
0x56: {  	[sflag:s25] =	ssyncset.done @!p0 $0x0  }
0x57: {  	s6 =	sadd.s32 @!p0 $0x300, s28;
	[sflag:s25] =	ssyncadd.s32 @!p0 $0xFFFFE000;
	s25 =	simm.s32 @!p0 $0x12400  }
0x58: {  	[tilespmem:s25], [sflag:$0x1] =	stream.indirect.gather @!p0 [hbm4b:s4+s5], $0x40, s6, s5, $0xb8;
	[tilespmem:$0x16400] =	vst v63  }
0x59: {  	_ =	swait.ge [sflag:s0], $0x2000  }
0x5a: {  	p0 =	seq.s32 s23, $0x0;
	[sflag:s0] =	ssyncset.done $0x0  }
0x5b: {  	s25 =	sadd.s32 s21, s7;
	s5 =	simm.s32 @!p0 $0x2;
	[sflag:s0] =	ssyncadd.s32 $0xFFFFE000  }
0x5c: {  	[hbm4b:s25+s3] =	stream.linear.scatter [tilespmem:s22], [sflag:$0x2], $0x2000, $0x38;
	[tilespmem:$0x16400] =	vst v63  }
0x5d: {  	_ =	swait.ge @!p0 [sflag:s5], $0x2000  }
0x5e: {  	[sflag:s5] =	ssyncset.done @!p0 $0x0  }
0x5f: {  	[sflag:s5] =	ssyncadd.s32 @!p0 $0xFFFFE000;
	s5 =	sshra.s32 @!p0 s23, $0x2  }
0x60: {  	s6 =	simm.s32 @!p0 $0x80;
	s25 =	simm.s32 @!p0 $0x14400;
	s5 =	sadd.s32 @!p0 $0x380, s5  }
0x61: {  	[tilespmem:s25], [sflag:$0x1] =	stream.indirect.gather @!p0 [hbm4b:s4+s6], $0x40, s5, s6, $0xb8;
	[tilespmem:$0x16400] =	vst v63  }
0x62: {  	_ =	swait.ge [sflag:s0], $0x2000  }
0x63: {  	p0 =	seq.s32 s23, $0x18000;
	[sflag:s0] =	ssyncset.done $0x0  }
0x64: {  	s28 =	sadd.s32 s21, s14;
	s5 =	simm.s32 @!p0 $0x2;
	[sflag:s0] =	ssyncadd.s32 $0xFFFFE000  }
0x65: {  	[hbm4b:s28+s3] =	stream.linear.scatter [tilespmem:s24], [sflag:$0x2], $0x2000, $0x38;
	[tilespmem:$0x16400] =	vst v63  }
0x66: {  	_ =	swait.ge @!p0 [sflag:s5], $0x2000  }
0x67: {  	s6 =	sshra.s32 @!p0 s23, $0x2;
	s30 =	simm.s32 @!p0 $0x6400;
	[sflag:s5] =	ssyncset.done @!p0 $0x0  }
0x68: {  	s25 =	sadd.s32 @!p0 $0x400, s6;
	s28 =	simm.s32 @!p0 $0x80;
	[sflag:s5] =	ssyncadd.s32 @!p0 $0xFFFFE000  }
0x69: {  	[tilespmem:s30], [sflag:$0x1] =	stream.indirect.gather @!p0 [hbm4b:s4+s28], $0x40, s25, s28, $0xb8;
	[tilespmem:$0x16400] =	vst v63  }
0x6a: {  	_ =	swait.ge [sflag:s0], $0x2000  }
0x6b: {  	[sflag:s0] =	ssyncset.done $0x0  }
0x6c: {  	s30 =	sadd.s32 s21, s13;
	[sflag:s0] =	ssyncadd.s32 $0xFFFFE000  }
0x6d: {  	[hbm4b:s30+s3] =	stream.linear.scatter [tilespmem:s26], [sflag:$0x2], $0x2000, $0x38;
	[tilespmem:$0x16400] =	vst v63  }
0x6e: {  	_ =	swait.ge @!p0 [sflag:s5], $0x2000  }
0x6f: {  	[sflag:s5] =	ssyncset.done @!p0 $0x0  }
0x70: {  	s25 =	sadd.s32 @!p0 $0x480, s6;
	s30 =	simm.s32 @!p0 $0x8400;
	[sflag:s5] =	ssyncadd.s32 @!p0 $0xFFFFE000  }
0x71: {  	[tilespmem:s30], [sflag:$0x1] =	stream.indirect.gather @!p0 [hbm4b:s4+s28], $0x40, s25, s28, $0xb8;
	[tilespmem:$0x16400] =	vst v63  }
0x72: {  	_ =	swait.ge [sflag:s0], $0x2000  }
0x73: {  	[sflag:s0] =	ssyncset.done $0x0  }
0x74: {  	s30 =	sadd.s32 s21, s12;
	[sflag:s0] =	ssyncadd.s32 $0xFFFFE000  }
0x75: {  	[hbm4b:s30+s3] =	stream.linear.scatter [tilespmem:s29], [sflag:$0x2], $0x2000, $0x38;
	[tilespmem:$0x16400] =	vst v63  }
0x76: {  	_ =	swait.ge @!p0 [sflag:s5], $0x2000  }
0x77: {  	[sflag:s5] =	ssyncset.done @!p0 $0x0  }
0x78: {  	[sflag:s5] =	ssyncadd.s32 @!p0 $0xFFFFE000;
	s5 =	sadd.s32 @!p0 $0x500, s6;
	s6 =	simm.s32 @!p0 $0xA400  }
0x79: {  	[tilespmem:s6], [sflag:$0x1] =	stream.indirect.gather @!p0 [hbm4b:s4+s28], $0x40, s5, s28, $0xb8;
	[tilespmem:$0x16400] =	vst v63  }
0x7a: {  	_ =	swait.ge [sflag:s0], $0x2000  }
0x7b: {  	[sflag:s0] =	ssyncset.done $0x0  }
.Ltmp2:
0x7c: {  	s30 =	sadd.s32 s21, s11;
	[sflag:s0] =	ssyncadd.s32 $0xFFFFE000;
	(pc) =	sbr.rel @p0 .LBB2_4-.Ltmp2, $4  }
0x7d: {  	[hbm4b:s30+s3] =	stream.linear.scatter [tilespmem:s31], [sflag:$0x2], $0x2000, $0x38;
	[tilespmem:$0x16400] =	vst v63  }
0x7e: {  	_ =	swait.ge [sflag:s2], $0x2000  }
0x7f: {  	[sflag:s2] =	ssyncset.done $0x0  }
0x80: {  	[sflag:s2] =	ssyncadd.s32 $0xFFFFE000  }
.Ltmp3:
0x81: {  	(pc) =	sbr.rel .LBB2_2-.Ltmp3, $4  }
0x82: {  	_ = 	snop  }
0x83: {  	s5 =	sshra.s32 s23, $0x2;
	s23 =	sadd.s32 $0x1000, s23  }
0x84: {  	s21 =	sadd.s32 $0x2000, s21;
	s19 =	sadd.s32 $0x8, s19;
	s5 =	sadd.s32 $0x580, s5  }
0x85: {  	[tilespmem:s22], [sflag:$0x1] =	stream.indirect.gather [hbm4b:s4+s16], $0x40, s5, s16, $0xb8;
	[tilespmem:$0x16400] =	vst v63  }
.LBB2_5:
0x86: {  	_ =	sfence.sel $0x180000  }
0x87: {  	[bflag:$0x0] =	sbarrier.arrive $0xFFFF  }
0x88: {  	_ =	strace $0x90000047  }
0x89: {  	s0 =	stileid.u32;
	[bflag:$0x2] =	sbarrier.arrive $0xFFFF  }
0x8a: {  	p0 =	sne.s32 s0, $0x0;
	s0 =	rddreg [dreg:$0x3]  }
0x8b: {  	s0 =	sadd.s32 @!p0 $0x100000, s0  }
0x8c: {  	[sflag:s0] =	ssyncadd.tile.s32 @!p0 $0x1;
	_ =	shalt  }
.Lfunc_end2:
_tile_overlayer_lowered:
.L_overlay_start_2:
0x8d: {  	(tag) =	ssettag $0x2  }
0x8e: {  	s0 =	rddreg [dreg:$0x0];
	s2 =	stileid.u32  }
0x8f: {  	s1 =	rddreg [dreg:$0x1];
	p0 =	sne.s32 s2, $0x0  }
0x90: {  	s3 =	rddreg [dreg:$0x2];
	[bflag:$0x3] =	sbarrier.arrive $0xFFFF;
	s2 =	simm.s32 @!p0 $0x1C03  }
0x91: {  	[timem:s3], [sflag:s2] =	dma.local @!p0 [hbm:s0], s1  }
0x92: {  	s0 =	simm.s32 @!p0 $0x3  }
0x93: {  	_ =	swait.ge @!p0 [sflag:s0], s1  }
0x94: {  	s1 =	ssub.s32 @!p0 $0x0, s1;
	[sflag:s0] =	ssyncset.done @!p0 $0x0  }
0x95: {  	[sflag:s0] =	ssyncadd.s32 @!p0 s1  }
0x96: {  	[bflag:$0x3] =	sbarrier.arrive $0xFFFF  }
0x97: {  	_ =	shalt  }

// kernel: sparse-core-data-format-call.cloned.1.call-start
scs
called_computation_lowered:
.L_overlay_start_0:
0x0: {  	s2 =	sld [smem:$0x3FD9]  }
0x1: {  	s3 =	sld [smem:$0x3FFE];
	_ =	sdelay $0x1  }
0x2: {  	s1 =	srdreg.scid  }
0x3: {  	s0 =	sand.u32 $0x1, s1  }
0x4: {  	s18 =	sshll.u32 s0, $0xA;
	s2 =	sadd.s32 s3, s2  }
0x5: {  	s2 =	sadd.s32 s2, s18  }
0x6: {  	[smem:$0x3FC6] =	sst s2  }
0x7: {  	_ = 	snop  }
0x8: {  	s2 =	sld [smem:$0x3FD0];
	(tm) =	ssettm $0x1  }
0x9: {  	s19 =	sld [smem:$0x3FFB];
	_ =	sdelay $0x3  }
0xa: {  	_ =	strace s19  }
0xb: {  	s3 =	sld [smem:$0x3FFC];
	_ =	sdelay $0x3  }
0xc: {  	_ =	strace s3  }
0xd: {  	s3 =	sld [smem:$0x3FFD];
	_ =	sdelay $0x3  }
0xe: {  	_ =	strace s3  }
0xf: {  	_ =	strace $0x8FFFFFFF  }
0x10: {  	s20 =	sld [smem:$0x3FDB];
	_ =	sdelay $0x1  }
0x11: {  	s4 =	simm.s32 $_scs_section_size  }
0x12: {  	s5 =	simm.s32 $_size__tile_overlayer_lowered;
	s6 =	simm.s32 $_tile_overlayer_lowered  }
0x13: {  	s23 =	simm.s32 $0x1BFF;
	s22 =	sshll.u32 s6, $0x1;
	s3 =	sadd.s32 s4, s20  }
0x14: {  	s7 =	simm.s32 $0x0;
	s21 =	sshll.u32 s5, $0x1;
	s5 =	sadd.s32 s22, s3  }
0x15: {  	[timem:s7], [sflag:s23] =	dma.local [hbm:s5], s21  }
0x16: {  	_ =	swait.ge [sflag:s23], s21  }
0x17: {  	s4 =	ssub.s32 $0x0, s21;
	[sflag:s23] =	ssyncset.done $0x0  }
0x18: {  	[sflag:s23] =	ssyncadd.s32 s4;
	_ =	sdelay $0x1  }
0x19: {  	s24 =	simm.s32 $0x1B8B  }
0x1a: {  	_ =	swait.ge [sflag:s24], $0x1  }
0x1b: {  	[sflag:s24] =	ssyncset.done $0x0  }
0x1c: {  	s26 =	simm.s32 $0x1B8E;
	s25 =	sld [smem:$0x3FFE];
	[sflag:s24] =	ssyncadd.s32 $0xFFFFFFFF  }
0x1d: {  	s27 =	simm.s32 $execute0_lowered;
	[smem:$0x3FD2] =	sst s26  }
0x1e: {  	s5 =	sshll.u32 s27, $0x1;
	_ =	strace $0x80000049;
	[dreg:$0x1] =	wrdreg $0xFFFFFFFF  }
0x1f: {  	s28 =	simm.s32 $_size_execute0_lowered;
	s3 =	sadd.s32 s3, s5;
	[dreg:$0x0] =	wrdreg $0x0  }
0x20: {  	s5 =	sshll.u32 s28, $0x1;
	[dreg:$0x2] =	wrdreg s3  }
0x21: {  	[dreg:$0x3] =	wrdreg s5  }
0x22: {  	[dreg:$0x4] =	wrdreg $0xC0  }
0x23: {  	_ =	task [dreg:s7], $0x5FFFF  }
0x24: {  	[dreg:$0x1] =	wrdreg $0xFFFFFFFF  }
0x25: {  	[dreg:$0x0] =	wrdreg $0x60  }
0x26: {  	[dreg:$0x2] =	wrdreg s25  }
0x27: {  	[dreg:$0x3] =	wrdreg s2  }
0x28: {  	[dreg:$0x4] =	wrdreg $0x9  }
0x29: {  	_ =	task.clear_ibuf [dreg:s7], $0x5FFFF;
	_ =	strace $0x90000049  }
0x2a: {  	s29 =	simm.s32 $0x9;
	_ =	strace $0x8000004B  }
0x2b: {  	_ =	swait.ge [sflag:s29], $0x1  }
0x2c: {  	[sflag:s29] =	ssyncadd.s32 $0xFFFFFFFF  }
0x2d: {  	_ =	strace $0x9000004B  }
0x2e: {  	_ =	sfence  }
0x2f: {  	s30 =	sld [smem:$0x0];
	_ =	sdelay $0x2  }
0x30: {  	s31 =	sshll.u32 s1, $0xD;
	s1 =	sshrl.u32 s1, $0x2  }
0x31: {  	s3 =	sand.u32 $0x4000, s31;
	s1 =	sadd.s32 s1, s30  }
0x32: {  	s0 =	sor.u32 s3, s0;
	s1 =	sshll.u32 s1, $0x11  }
0x33: {  	s0 =	sor.u32 s1, s0  }
0x34: {  	s0 =	sadd.s32 $0x8F2B, s0  }
0x35: {  	[sflag:s0] =	ssyncadd.remote.s32 $0x1  }
0x36: {  	_ =	sfence.sel $0xFFFF  }
0x37: {  	[dreg:$0x0] =	wrdreg $0xFFFFFFFF;
	(pc) =	sbr.abs _section_cstart, $3  }
0x38: {  	[dreg:$0x1] =	wrdreg $0xFFFFFFFF  }
0x39: {  	_ =	task.clear_ibuf [dreg:s7], $0x2FFFF;
	_ =	strace $0x9FFFFFFF  }
0x3a: {  	(tm) =	ssettm $0x7FFFFFFF  }
0x3b: {  	_ =	shalt  }
tec
execute0_lowered:
.L_overlay_start_1:
0x0: {  	(tag) =	ssettag $0x1  }
0x1: {  	s4 =	rddreg [dreg:$0x0]  }
0x2: {  	s2 =	rddreg [dreg:$0x1]  }
0x3: {  	s0 =	rddreg [dreg:$0x2];
	_ =	strace $0x8000004A  }
0x4: {  	s3 =	srdreg.scid;
	s1 =	stileid.u32;
	s6 =	simm.s32 $0x2  }
.Ltmp0:
0x5: {  	p0 =	por $0x0, $0x0;
	s10 =	simm.s32 $0x0;
	(pc) =	sbr.rel .LBB1_1-.Ltmp0, $4  }
0x6: {  	s11 =	simm.s32 $0x0;
	s8 =	simm.s32 $0x0;
	s5 =	sshll.u32 s3, $0x4  }
0x7: {  	s7 =	simm.s32 $0x0;
	s3 =	simm.s32 $0x1;
	s5 =	sand.u32 $0x10, s5  }
0x8: {  	s4 =	sadd.s32 $0x800, s4;
	[sflag:s3] =	ssyncpa.u1 $0x0;
	s5 =	sor.u32 s1, s5  }
0x9: {  	[sflag:s6] =	ssyncpa.u1 $0x0;
	s6 =	simm.s32 $0x0;
	s9 =	smov.u32 s5  }
.LBB1_7:
0xa: {  	s12 =	sadd.s32 $0x2, s8  }
0xb: {  	s10 =	sadd.s32 $0x20, s9;
	s14 =	smov.u32 s9;
	p2 =	sgt.s32 s12, $0xC7  }
0xc: {  	p1 =	slt.u32 s7, $0x2;
	s14 =	smov.u32 @p2 s10  }
0xd: {  	s7 =	sadd.s32 $0x1, s7;
	s12 =	simm.s32 @p2 $0x0;
	p2 =	sgt.s32 s14, $0x1F  }
0xe: {  	s14 =	smov.u32 @p2 s5;
	p2 =	sne.s32 s7, $0x66  }
.Ltmp1:
0xf: {  	_ = 	snop;
	(pc) =	sbr.rel @!p2 .LBB1_8-.Ltmp1, $4  }
0x10: {  	s13 =	simm.s32 @!p1 $0x2  }
0x11: {  	s11 =	smov.u32 s9;
	_ =	swait.ge @!p1 [sflag:s13], $0x4000  }
0x12: {  	p0 =	por !p0, !p0;
	s10 =	smov.u32 s8;
	[sflag:s13] =	ssyncset.done @!p1 $0x0  }
0x13: {  	s8 =	smov.u32 s12;
	[sflag:s13] =	ssyncadd.s32 @!p1 $0xFFFFC000;
	s9 =	smov.u32 s14  }
.LBB1_1:
0x14: {  	p1 =	sgt.u32 s7, $0x63  }
0x15: {  	s13 =	smul.u32 @!p1 $0x64000, s9  }
0x16: {  	s12 =	sxor.u32 @!p1 $0xFFFFFFFF, s7;
	s14 =	sshll.u32 @!p1 s8, $0xB  }
0x17: {  	s15 =	simm.s32 @!p1 $0x80;
	s12 =	sshll.u32 @!p1 s12, $0xE;
	s13 =	sadd.s32 @!p1 s4, s13  }
0x18: {  	s12 =	sand.u32 @!p1 $0x4000, s12;
	s13 =	sadd.s32 @!p1 s14, s13;
	s14 =	simm.s32 @!p1 $0x40  }
0x19: {  	[tilespmem:s12], [sflag:$0x1] =	stream.strided.gather @!p1 [hbm4b:s13+s14], $0x4000, s15, s14, $0x38;
	[tilespmem:$0x10100] =	vst v63  }
0x1a: {  	p1 =	seq.s32 s7, $0x0  }
0x1b: {  	p2 =	seq.s32 @!p1 s7, $0x65  }
0x1c: {  	p1 =	por p1, p2  }
.Ltmp2:
0x1d: {  	_ = 	snop;
	(pc) =	sbr.rel @p1 .LBB1_7-.Ltmp2, $1  }
0x1e: {  	_ =	sdelay $0x3  }
0x1f: {  	s12 =	simm.s32 $0x1;
	s14 =	sand.u32 $0x1, s7  }
0x20: {  	_ =	swait.ge [sflag:s3], $0x4000;
	s12 =	simm.s32 @!p0 $0x0;
	s14 =	smul.u32 $0x10200, s14  }
0x21: {  	p2 =	por $0x1, $0x1;
	[sflag:s3] =	ssyncset.done $0x0;
	s13 =	smul.u32 $0x10200, s12  }
0x22: {  	s15 =	sshll.u32 s12, $0x10;
	[sflag:s3] =	ssyncadd.s32 $0xFFFFC000;
	s30 =	sshrl.u32 s14, $0x2  }
0x23: {  	s31 =	sshrl.u32 s15, $0x2;
	s15 =	simm.s32 $0x0;
	s13 =	sshrl.u32 s13, $0x2  }
0x24: {  	s12 =	sor.u32 $0x8000, s30;
	s14 =	sadd.s32 $0x20, s31;
	s13 =	sor.u32 $0x8000, s13  }
.LBB1_3:
0x25: {  	s16 =	sshll.u32 s15, $0xD  }
0x26: {  	s16 =	sand.u32 $0x3FFFE000, s16  }
0x27: {  	s18 =	sadd.s32 s16, s14  }
0x28: {  	s31 =	smul.u32 $0x8100, s15;
	v3 =	vld [tilespmem:s18+$0x10]  }
0x29: {  	v1 =	vld [tilespmem:s18+$0xFFFFFFF0]  }
0x2a: {  	s15 =	sshra.s32 s31, $0x2;
	v0 =	vld [tilespmem:s18+$0x0]  }
0x2b: {  	s15 =	sadd.s32 s15, s13;
	v2 =	vld [tilespmem:s18+$0xFFFFFFE0]  }
0x2c: {  	s16 =	sadd.s32 $0x0, s15  }
0x2d: {  	p1 =	por p2, p2;
	s17 =	simm.s32 $0x4;
	s18 =	sadd.s32 $0x40, s18;
	[tilespmem:s16+$0x1830 ss:$0x81] =	vst.msk $0xffff, v3  }
.LBB1_4:
0x2e: {  	v3 =	vld [tilespmem:s18+$0x10];
	p2 =	sne.s32 s17, $0x1FC;
	[tilespmem:s16+$0x810 ss:$0x81] =	vst.msk $0xffff, v1;
	s19 =	smov.u32 s17;
	s17 =	sadd.s32 $0x4, s17  }
.Ltmp3:
0x2f: {  	v1 =	vld [tilespmem:s18+$0xFFFFFFF0];
	[tilespmem:s16+$0x1020 ss:$0x81] =	vst.msk $0xffff, v0;
	(pc) =	sbr.rel @p2 .LBB1_4-.Ltmp3, $4  }
0x30: {  	v0 =	vld [tilespmem:s18+$0x0];
	[tilespmem:s16+$0x0 ss:$0x81] =	vst.msk $0xffff, v2  }
0x31: {  	s16 =	sshra.s32 s19, $0x2;
	v2 =	vld [tilespmem:s18+$0xFFFFFFE0]  }
0x32: {  	s16 =	sadd.s32 s16, s15  }
0x33: {  	s18 =	sadd.s32 $0x40, s18;
	[tilespmem:s16+$0x1830 ss:$0x81] =	vst.msk $0xffff, v3  }
.Ltmp4:
0x34: {  	(pc) =	sbr.rel @p1 .LBB1_3-.Ltmp4, $4  }
0x35: {  	_ = 	snop  }
0x36: {  	[tilespmem:s16+$0x810 ss:$0x81] =	vst.msk $0xffff, v1  }
0x37: {  	[tilespmem:s16+$0x1020 ss:$0x81] =	vst.msk $0xffff, v0  }
0x38: {  	s15 =	simm.s32 $0x1;
	p2 =	por $0x0, $0x0;
	[tilespmem:s16+$0x0 ss:$0x81] =	vst.msk $0xffff, v2  }
0x39: {  	s11 =	smul.u32 $0x32000, s11  }
.Ltmp5:
0x3a: {  	_ = 	snop;
	(pc) =	sbr.rel .LBB1_7-.Ltmp5, $4  }
0x3b: {  	_ = 	snop  }
0x3c: {  	s10 =	sshll.u32 s10, $0xA;
	s11 =	sadd.s32 s2, s11  }
0x3d: {  	s10 =	sadd.s32 s10, s11  }
0x3e: {  	[hbm4b:s10+s6] =	stream.linear.scatter [tilespmem:s12], [sflag:$0x2], $0x4000, $0x20;
	[tilespmem:$0x10100] =	vst v63  }
.LBB1_8:
0x3f: {  	_ =	sfence.sel $0x180000  }
0x40: {  	s2 =	simm.s32 $0x1;
	[bflag:$0x0] =	sbarrier.arrive $0xFFFF  }
0x41: {  	s31 =	simm.s32 $0x2;
	[sflag:s2] =	ssyncpa.u1 $0x1  }
0x42: {  	[sflag:s31] =	ssyncpa.u1 $0x1  }
0x43: {  	p0 =	sne.s32 s1, $0x0;
	_ =	strace $0x9000004A  }
0x44: {  	s0 =	sadd.s32 @!p0 $0x100000, s0;
	[bflag:$0x2] =	sbarrier.arrive $0xFFFF  }
0x45: {  	[sflag:s0] =	ssyncadd.tile.s32 @!p0 $0x1;
	_ =	shalt  }
.Lfunc_end1:
_tile_overlayer_lowered:
.L_overlay_start_2:
0x46: {  	(tag) =	ssettag $0x2  }
0x47: {  	s0 =	rddreg [dreg:$0x0];
	s2 =	stileid.u32  }
0x48: {  	s1 =	rddreg [dreg:$0x1];
	p0 =	sne.s32 s2, $0x0  }
0x49: {  	s3 =	rddreg [dreg:$0x2];
	[bflag:$0x3] =	sbarrier.arrive $0xFFFF;
	s2 =	simm.s32 @!p0 $0x1C01  }
0x4a: {  	[timem:s3], [sflag:s2] =	dma.local @!p0 [hbm:s0], s1  }
0x4b: {  	s0 =	simm.s32 @!p0 $0x1  }
0x4c: {  	_ =	swait.ge @!p0 [sflag:s0], s1  }
0x4d: {  	s1 =	ssub.s32 @!p0 $0x0, s1;
	[sflag:s0] =	ssyncset.done @!p0 $0x0  }
0x4e: {  	[sflag:s0] =	ssyncadd.s32 @!p0 s1  }
0x4f: {  	[bflag:$0x3] =	sbarrier.arrive $0xFFFF  }
0x50: {  	_ =	shalt  }

</sc_bundles>
